<compile_context>
chip_gen: v7x
topology: tpu7x:2x2x1
jax: 0.10.2.dev20260603
libtpu: 0.0.44.dev20260713+nightly
codegen_flags: <defaults>
</compile_context>

<pallas_src>
import functools

import jax
import jax.numpy as jnp
from jax import lax
from jax.experimental import pallas as pl
from jax.experimental.pallas import tpu as pltpu
from jax.experimental.pallas import tpu_sc as plsc

N = 100000
E = 6400000

DT = 0.1
G_L = 10.0
DELTA_T = 2.0
V_THRESH = -50.0
V_REST = -65.0
CAP = 200.0
A_W = 2.0
TAU_W = 100.0
TAU_GE = 5.0
TAU_GI = 10.0
E_GE = 0.0
E_GI = -80.0
V_CUT = -30.0

NC = 2
NS = 16
NW = NC * NS
CHUNK = 2048
ROWS = CHUNK // 128
NCHUNKS = E // CHUNK
CPW = (NCHUNKS + NW - 1) // NW
CLS_STRIDE = 102400
CNT_LEN = 2 * CLS_STRIDE
ZSHARE = CNT_LEN // NS
ZCHUNK = 1600
INH_CODE = 2 * CLS_STRIDE + 1


def _code_body(spk_ref, exc_ref, code_ref):
    code_ref[...] = jnp.where(
        spk_ref[...],
        jnp.where(exc_ref[...], jnp.int32(1), jnp.int32(INH_CODE)),
        jnp.int32(0))


def _edge_body(code_hbm, ei_hbm, out_hbm,
               code_v, sd_v, idx_v0, idx_v1, ones_v,
               zbuf, cnt_sh, in_sem0, in_sem1, scat_sem):
    cid = lax.axis_index("c")
    sid = lax.axis_index("s")
    wid = sid * NC + cid
    in_sems = (in_sem0, in_sem1)
    idx_bufs = (idx_v0, idx_v1)

    def ofill(i, _):
        ones_v[pl.ds(i * 16, 16)] = jnp.ones((16,), jnp.float32)
        return 0
    lax.fori_loop(0, CHUNK // 16, ofill, 0)

    def zfill(i, _):
        zbuf[pl.ds(i * 16, 16)] = jnp.zeros((16,), jnp.float32)
        return 0
    lax.fori_loop(0, ZCHUNK // 16, zfill, 0)
    for k in range(ZSHARE // ZCHUNK):
        pltpu.sync_copy(zbuf, cnt_sh.at[pl.ds(sid * ZSHARE + k * ZCHUNK, ZCHUNK)])

    code_desc = pltpu.async_copy(code_hbm, code_v, scat_sem)
    for b in (0, 1):
        off = (wid + b * NW) * CHUNK
        pltpu.async_copy(ei_hbm.at[:, pl.ds(off, CHUNK)], sd_v.at[b], in_sems[b])
    code_desc.wait()
    plsc.subcore_barrier()

    def do_chunk(ci, b):
        g = wid + ci * NW
        idx_v = idx_bufs[b]

        @pl.when(g < NCHUNKS)
        def _process():
            off = g * CHUNK
            pltpu.make_async_copy(
                ei_hbm.at[:, pl.ds(off, CHUNK)], sd_v.at[b], in_sems[b]).wait()
            @pl.when(ci >= 2)
            def _drain():
                pltpu.make_async_copy(
                    ones_v,
                    cnt_sh.at[plsc.Indices(idx_v, ignored_value=-1)],
                    scat_sem).wait()

            @plsc.parallel_loop(0, CHUNK // 16, 1, unroll=8)
            def _vloop(i):
                s = sd_v[b, 0, pl.ds(i * 16, 16)]
                d = sd_v[b, 1, pl.ds(i * 16, 16)]
                t = plsc.load_gather(code_v, [s])
                slot = d + lax.shift_right_logical(t, 1)
                idx_v[pl.ds(i * 16, 16)] = jnp.where(
                    t == 0, jnp.int32(-1), slot)
            ng = g + 2 * NW

            @pl.when(ng < NCHUNKS)
            def _prefetch():
                noff = ng * CHUNK
                pltpu.async_copy(
                    ei_hbm.at[:, pl.ds(noff, CHUNK)], sd_v.at[b], in_sems[b])
            pltpu.async_copy(
                ones_v,
                cnt_sh.at[plsc.Indices(idx_v, ignored_value=-1)],
                scat_sem, add=True)

    def outer_body(o, _):
        do_chunk(2 * o, 0)
        do_chunk(2 * o + 1, 1)
        return 0
    lax.fori_loop(0, CPW // 2, outer_body, 0)

    for ci in (CPW - 2, CPW - 1):
        b = ci % 2

        @pl.when(wid + ci * NW < NCHUNKS)
        def _final_drain():
            pltpu.make_async_copy(
                ones_v,
                cnt_sh.at[plsc.Indices(idx_bufs[b], ignored_value=-1)],
                scat_sem).wait()

    plsc.subcore_barrier()
    pltpu.sync_copy(cnt_sh.at[pl.ds(sid * ZSHARE, ZSHARE)],
                    out_hbm.at[cid, pl.ds(sid * ZSHARE, ZSHARE)])


_edge_kernel = functools.partial(
    pl.kernel,
    out_type=jax.ShapeDtypeStruct((NC, CNT_LEN), jnp.float32),
    mesh=plsc.VectorSubcoreMesh(core_axis_name="c", subcore_axis_name="s"),
    compiler_params=pltpu.CompilerParams(needs_layout_passes=False),
    scratch_types=[
        pltpu.VMEM((N,), jnp.int32),
        pltpu.VMEM((2, 2, CHUNK), jnp.int32),
        pltpu.VMEM((CHUNK,), jnp.int32),
        pltpu.VMEM((CHUNK,), jnp.int32),
        pltpu.VMEM((CHUNK,), jnp.float32),
        pltpu.VMEM((ZCHUNK,), jnp.float32),
        pltpu.VMEM_SHARED((CNT_LEN,), jnp.float32),
        pltpu.SemaphoreType.DMA,
        pltpu.SemaphoreType.DMA,
        pltpu.SemaphoreType.DMA,
    ],
)(_edge_body)


def _adex_body(v_ref, st_ref, w_ref, ge_ref, gi_ref, qge_ref, qgi_ref,
               ib_ref, vr_ref, b_ref, tr_ref, rc_ref, pc_ref,
               out_ref, spk_ref):
    v = v_ref[...]
    w = w_ref[...]
    cnt_exc = pc_ref[0, :N] + pc_ref[1, :N]
    cnt_inh = (pc_ref[0, CLS_STRIDE:CLS_STRIDE + N]
               + pc_ref[1, CLS_STRIDE:CLS_STRIDE + N])
    ge = ge_ref[...] + qge_ref[...] * cnt_exc
    gi = gi_ref[...] + qgi_ref[...] * cnt_inh
    I = ib_ref[...] + st_ref[...] + ge * (E_GE - v) + gi * (E_GI - v)
    exp_term = G_L * DELTA_T * jnp.exp(
        jnp.minimum((v - V_THRESH) / DELTA_T, 20.0))
    dv = (-G_L * (v - V_REST) + exp_term - w + I) / CAP
    dw = (-w + A_W * (v - V_REST)) / TAU_W
    non_ref = rc_ref[...] <= 0.0
    v = jnp.where(non_ref, v + dv * DT, v)
    w = w + dw * DT
    ge = ge + (-ge / TAU_GE) * DT
    gi = gi + (-gi / TAU_GI) * DT
    new_spiked = v > V_CUT
    v = jnp.where(new_spiked, vr_ref[...], v)
    w = jnp.where(new_spiked, w + b_ref[...], w)
    refrac = jnp.where(new_spiked, tr_ref[...], rc_ref[...]) - DT
    out_ref[0, :] = v
    out_ref[1, :] = w
    out_ref[2, :] = ge
    out_ref[3, :] = gi
    out_ref[4, :] = refrac
    spk_ref[...] = new_spiked


def kernel(voltage, stimulus, adapt_current, ge, gi, Q_ge, Q_gi, I_bias,
           v_reset, b, t_refrac, refractory_counter, spiked, edge_index,
           is_excitatory):
    ei = edge_index.astype(jnp.int32)

    code = pl.pallas_call(
        _code_body,
        out_shape=jax.ShapeDtypeStruct((N,), jnp.int32),
    )(spiked, is_excitatory)

    pcounts = _edge_kernel(code, ei)

    out, new_spiked = pl.pallas_call(
        _adex_body,
        out_shape=(
            jax.ShapeDtypeStruct((5, N), jnp.float32),
            jax.ShapeDtypeStruct((N,), jnp.bool_),
        ),
    )(voltage, stimulus, adapt_current, ge, gi, Q_ge, Q_gi, I_bias,
      v_reset, b, t_refrac, refractory_counter, pcounts)
    return out, new_spiked

# --- scband reference (transcript-rebuilt; emitter-appended) ---
"""Pipeline reference for scband-fly-vis-ad-ex-ode-71786083385561 (READ-ONLY COPY).

The authoritative reference and input builder live on the scoring server;
editing this copy changes nothing except your own understanding.
"""

import jax, jax.numpy as jnp
import numpy as np

N = 100000
E = 6400000

DT = 0.1
G_L = 10.0
DELTA_T = 2.0
V_THRESH = -50.0
V_REST = -65.0
CAP = 200.0
A = 2.0
TAU_W = 100.0
TAU_GE = 5.0
TAU_GI = 10.0
E_GE = 0.0
E_GI = -80.0
V_CUT = -30.0
STIM_SCALE = 1.0


def setup_inputs(seed: int = 0) -> dict:
    key = jax.random.key(seed)
    ks = jax.random.split(key, 16)
    voltage = V_REST + 5.0 * jax.random.normal(ks[0], (N,), dtype=jnp.float32)
    stimulus = jax.random.normal(ks[1], (N,), dtype=jnp.float32)
    adapt_current = jnp.zeros((N,), dtype=jnp.float32)
    ge = 0.1 * jax.random.uniform(ks[2], (N,), dtype=jnp.float32)
    gi = 0.1 * jax.random.uniform(ks[3], (N,), dtype=jnp.float32)
    Q_ge = 0.05 * jax.random.uniform(ks[4], (N,), dtype=jnp.float32)
    Q_gi = 0.05 * jax.random.uniform(ks[5], (N,), dtype=jnp.float32)
    I_bias = 50.0 * jax.random.uniform(ks[6], (N,), dtype=jnp.float32)
    v_reset = -60.0 + 2.0 * jax.random.uniform(ks[7], (N,), dtype=jnp.float32)
    b = 0.5 * jax.random.uniform(ks[8], (N,), dtype=jnp.float32)
    t_refrac = 1.0 + 2.0 * jax.random.uniform(ks[9], (N,), dtype=jnp.float32)
    refractory_counter = jnp.zeros((N,), dtype=jnp.float32)
    spiked = jax.random.randint(ks[10], (N,), 0, 2).astype(jnp.bool_)
    edge_index = jax.random.randint(ks[11], (2, E), 0, N, dtype=jnp.int64)
    is_excitatory = jax.random.randint(ks[12], (N,), 0, 2).astype(jnp.bool_)
    return {
        'voltage': voltage, 'stimulus': stimulus, 'adapt_current': adapt_current,
        'ge': ge, 'gi': gi, 'Q_ge': Q_ge, 'Q_gi': Q_gi, 'I_bias': I_bias,
        'v_reset': v_reset, 'b': b, 't_refrac': t_refrac,
        'refractory_counter': refractory_counter, 'spiked': spiked,
        'edge_index': edge_index, 'is_excitatory': is_excitatory,
    }


def reference(voltage, stimulus, adapt_current, ge, gi, Q_ge, Q_gi, I_bias,
              v_reset, b, t_refrac, refractory_counter, spiked, edge_index,
              is_excitatory):
    src = edge_index[0]
    dst = edge_index[1]
    # 1) Event-triggered spike propagation (COBA): gather + scatter-add
    spiked_src = spiked[src]
    exc_edge = is_excitatory[src]
    contrib_ge = jnp.where(spiked_src & exc_edge, Q_ge[dst], 0.0)
    contrib_gi = jnp.where(spiked_src & (~exc_edge), Q_gi[dst], 0.0)
    ge = ge + jax.ops.segment_sum(contrib_ge, dst, num_segments=N)
    gi = gi + jax.ops.segment_sum(contrib_gi, dst, num_segments=N)
    # 2) Derivatives
    v = voltage
    w = adapt_current
    I = I_bias + STIM_SCALE * stimulus + ge * (E_GE - v) + gi * (E_GI - v)
    exp_term = G_L * DELTA_T * jnp.exp(jnp.minimum((v - V_THRESH) / DELTA_T, 20.0))
    dv = (-G_L * (v - V_REST) + exp_term - w + I) / CAP
    dw = (-w + A * (v - V_REST)) / TAU_W
    dge = -ge / TAU_GE
    dgi = -gi / TAU_GI
    # 3) Euler integration (skip refractory neurons for v)
    non_ref = refractory_counter <= 0.0
    v = jnp.where(non_ref, v + dv * DT, v)
    w = w + dw * DT
    ge = ge + dge * DT
    gi = gi + dgi * DT
    # 4) Spike detection and reset
    new_spiked = v > V_CUT
    v = jnp.where(new_spiked, v_reset, v)
    w = jnp.where(new_spiked, w + b, w)
    refrac = jnp.where(new_spiked, t_refrac, refractory_counter)
    # 5) Decrement refractory counter
    refrac = refrac - DT
    out = jnp.stack([v, w, ge, gi, refrac], axis=0)
    return out, new_spiked

if __name__ == "__main__":
    import jax
    _d = setup_inputs()
    print(jax.jit(kernel)(*tuple(_d.values())))

</pallas_src>

<mosaic_0001>
#map = affine_map<(d0, d1) -> (0)>
#map1 = affine_map<(d0, d1) -> (0, 0)>
module attributes {stable_mosaic.version = 14 : i64} {
  func.func @_edge_body(%arg0: i32, %arg1: i32, %arg2: memref<100000xi32, #tpu.memory_space<hbm>>, %arg3: memref<2x6400000xi32, #tpu.memory_space<hbm>>, %arg4: memref<2x204800xf32, #tpu.memory_space<hbm>>, %arg5: memref<100000xi32, #tpu.memory_space<vmem>>, %arg6: memref<2x2x2048xi32, #tpu.memory_space<vmem>>, %arg7: memref<2048xi32, #tpu.memory_space<vmem>>, %arg8: memref<2048xi32, #tpu.memory_space<vmem>>, %arg9: memref<2048xf32, #tpu.memory_space<vmem>>, %arg10: memref<1600xf32, #tpu.memory_space<vmem>>, %arg11: memref<204800xf32, #tpu.memory_space<vmem_shared>>, %arg12: memref<!tpu.dma_semaphore, #tpu.memory_space<semaphore_mem>>, %arg13: memref<!tpu.dma_semaphore, #tpu.memory_space<semaphore_mem>>, %arg14: memref<!tpu.dma_semaphore, #tpu.memory_space<semaphore_mem>>) attributes {dimension_semantics = [#tpu.dimension_semantics<core_parallel>, #tpu.dimension_semantics<subcore_parallel>], iteration_bounds = array<i64: 2, 16>, scalar_prefetch = 0 : i64, scratch_operands = 10 : i64, tpu.core_type = #tpu.core_type<sc_vector_subcore>, window_params = [{transform_indices = #map}, {transform_indices = #map1}, {transform_indices = #map1}]} {
    %mul3A = arith.constant 2 : i32
    %mul3A_0 = arith.muli %arg1, %mul3A : i32
    %add3A = arith.addi %mul3A_0, %arg0 : i32
    %scan3A = arith.constant 0 : i32
    %scan3A_1 = arith.constant 0 : i32
    %scan3A_2 = arith.constant 128 : i32
    %scan3A_3 = arith.addi %scan3A_1, %scan3A_2 : i32
    %scan3A_4 = arith.constant 1 : i32
    %scan3A_5 = scf.for %scan3A_102 = %scan3A_1 to %scan3A_3 step %scan3A_4 iter_args(%scan3A_103 = %scan3A) -> (i32)  : i32 {
      %broadcast_in_dim3A = arith.constant 1.000000e+00 : f32
      %broadcast_in_dim3A_104 = vector.broadcast %broadcast_in_dim3A : f32 to vector<16xf32>
      %mul3A_105 = arith.constant 16 : i32
      %mul3A_106 = arith.muli %scan3A_102, %mul3A_105 : i32
      %swap3A = arith.index_cast %mul3A_106 : i32 to index
      %swap3A_107 = tpu.vector_load %arg9[%swap3A] {strides = array<i32>} : memref<2048xf32, #tpu.memory_space<vmem>>, vector<16xf32>,
      tpu.vector_store %arg9[%swap3A], %broadcast_in_dim3A_104 {strides = array<i32>} : memref<2048xf32, #tpu.memory_space<vmem>>, vector<16xf32>,
      %scan3A_108 = arith.constant 0 : i32
      scf.yield %scan3A_108 : i32
    }
    %scan3A_6 = arith.constant 128 : i32
    %scan3A_7 = arith.constant 0 : i32
    %scan3A_8 = arith.constant 0 : i32
    %scan3A_9 = arith.constant 100 : i32
    %scan3A_10 = arith.addi %scan3A_8, %scan3A_9 : i32
    %scan3A_11 = arith.constant 1 : i32
    %scan3A_12 = scf.for %scan3A_102 = %scan3A_8 to %scan3A_10 step %scan3A_11 iter_args(%scan3A_103 = %scan3A_7) -> (i32)  : i32 {
      %broadcast_in_dim3A = arith.constant 0.000000e+00 : f32
      %broadcast_in_dim3A_104 = vector.broadcast %broadcast_in_dim3A : f32 to vector<16xf32>
      %mul3A_105 = arith.constant 16 : i32
      %mul3A_106 = arith.muli %scan3A_102, %mul3A_105 : i32
      %swap3A = arith.index_cast %mul3A_106 : i32 to index
      %swap3A_107 = tpu.vector_load %arg10[%swap3A] {strides = array<i32>} : memref<1600xf32, #tpu.memory_space<vmem>>, vector<16xf32>,
      tpu.vector_store %arg10[%swap3A], %broadcast_in_dim3A_104 {strides = array<i32>} : memref<1600xf32, #tpu.memory_space<vmem>>, vector<16xf32>,
      %scan3A_108 = arith.constant 0 : i32
      scf.yield %scan3A_108 : i32
    }
    %scan3A_13 = arith.constant 100 : i32
    %mul3A_14 = arith.constant 12800 : i32
    %mul3A_15 = arith.muli %arg1, %mul3A_14 : i32
    %add3A_16 = arith.constant 0 : i32
    %add3A_17 = arith.addi %mul3A_15, %add3A_16 : i32
    "tpu.region"() ({
      %run_scoped3A = tpu.sem_alloc : memref<!tpu.dma_semaphore, #tpu.memory_space<semaphore_mem>>
      %dma_start3A_102 = tpu.memref_slice %arg11[%add3A_17] : memref<204800xf32, #tpu.memory_space<vmem_shared>> -> memref<1600xf32, #tpu.memory_space<vmem_shared>>
      %dma_start3A_103 = tpu.memref_slice %arg11[%add3A_17] : memref<204800xf32, #tpu.memory_space<vmem_shared>> -> memref<1600xf32, #tpu.memory_space<vmem_shared>>
      tpu.enqueue_dma source(%arg10 : memref<1600xf32, #tpu.memory_space<vmem>>) target(%dma_start3A_103 : memref<1600xf32, #tpu.memory_space<vmem_shared>>) target_semaphore(%run_scoped3A : memref<!tpu.dma_semaphore, #tpu.memory_space<semaphore_mem>>)
      %dma_wait3A = tpu.memref_slice %arg11[%add3A_17] : memref<204800xf32, #tpu.memory_space<vmem_shared>> -> memref<1600xf32, #tpu.memory_space<vmem_shared>>
      %dma_wait3A_104 = tpu.memref_slice %arg11[%add3A_17] : memref<204800xf32, #tpu.memory_space<vmem_shared>> -> memref<1600xf32, #tpu.memory_space<vmem_shared>>
      tpu.wait_dma2 semaphore(%run_scoped3A : memref<!tpu.dma_semaphore, #tpu.memory_space<semaphore_mem>>) src(%arg10 : memref<1600xf32, #tpu.memory_space<vmem>>) dst(%dma_wait3A_104 : memref<1600xf32, #tpu.memory_space<vmem_shared>>)
      tpu.yield
    }) : () -> ()
    %mul3A_18 = arith.constant 12800 : i32
    %mul3A_19 = arith.muli %arg1, %mul3A_18 : i32
    %add3A_20 = arith.constant 1600 : i32
    %add3A_21 = arith.addi %mul3A_19, %add3A_20 : i32
    "tpu.region"() ({
      %run_scoped3A = tpu.sem_alloc : memref<!tpu.dma_semaphore, #tpu.memory_space<semaphore_mem>>
      %dma_start3A_102 = tpu.memref_slice %arg11[%add3A_21] : memref<204800xf32, #tpu.memory_space<vmem_shared>> -> memref<1600xf32, #tpu.memory_space<vmem_shared>>
      %dma_start3A_103 = tpu.memref_slice %arg11[%add3A_21] : memref<204800xf32, #tpu.memory_space<vmem_shared>> -> memref<1600xf32, #tpu.memory_space<vmem_shared>>
      tpu.enqueue_dma source(%arg10 : memref<1600xf32, #tpu.memory_space<vmem>>) target(%dma_start3A_103 : memref<1600xf32, #tpu.memory_space<vmem_shared>>) target_semaphore(%run_scoped3A : memref<!tpu.dma_semaphore, #tpu.memory_space<semaphore_mem>>)
      %dma_wait3A = tpu.memref_slice %arg11[%add3A_21] : memref<204800xf32, #tpu.memory_space<vmem_shared>> -> memref<1600xf32, #tpu.memory_space<vmem_shared>>
      %dma_wait3A_104 = tpu.memref_slice %arg11[%add3A_21] : memref<204800xf32, #tpu.memory_space<vmem_shared>> -> memref<1600xf32, #tpu.memory_space<vmem_shared>>
      tpu.wait_dma2 semaphore(%run_scoped3A : memref<!tpu.dma_semaphore, #tpu.memory_space<semaphore_mem>>) src(%arg10 : memref<1600xf32, #tpu.memory_space<vmem>>) dst(%dma_wait3A_104 : memref<1600xf32, #tpu.memory_space<vmem_shared>>)
      tpu.yield
    }) : () -> ()
    %mul3A_22 = arith.constant 12800 : i32
    %mul3A_23 = arith.muli %arg1, %mul3A_22 : i32
    %add3A_24 = arith.constant 3200 : i32
    %add3A_25 = arith.addi %mul3A_23, %add3A_24 : i32
    "tpu.region"() ({
      %run_scoped3A = tpu.sem_alloc : memref<!tpu.dma_semaphore, #tpu.memory_space<semaphore_mem>>
      %dma_start3A_102 = tpu.memref_slice %arg11[%add3A_25] : memref<204800xf32, #tpu.memory_space<vmem_shared>> -> memref<1600xf32, #tpu.memory_space<vmem_shared>>
      %dma_start3A_103 = tpu.memref_slice %arg11[%add3A_25] : memref<204800xf32, #tpu.memory_space<vmem_shared>> -> memref<1600xf32, #tpu.memory_space<vmem_shared>>
      tpu.enqueue_dma source(%arg10 : memref<1600xf32, #tpu.memory_space<vmem>>) target(%dma_start3A_103 : memref<1600xf32, #tpu.memory_space<vmem_shared>>) target_semaphore(%run_scoped3A : memref<!tpu.dma_semaphore, #tpu.memory_space<semaphore_mem>>)
      %dma_wait3A = tpu.memref_slice %arg11[%add3A_25] : memref<204800xf32, #tpu.memory_space<vmem_shared>> -> memref<1600xf32, #tpu.memory_space<vmem_shared>>
      %dma_wait3A_104 = tpu.memref_slice %arg11[%add3A_25] : memref<204800xf32, #tpu.memory_space<vmem_shared>> -> memref<1600xf32, #tpu.memory_space<vmem_shared>>
      tpu.wait_dma2 semaphore(%run_scoped3A : memref<!tpu.dma_semaphore, #tpu.memory_space<semaphore_mem>>) src(%arg10 : memref<1600xf32, #tpu.memory_space<vmem>>) dst(%dma_wait3A_104 : memref<1600xf32, #tpu.memory_space<vmem_shared>>)
      tpu.yield
    }) : () -> ()
    %mul3A_26 = arith.constant 12800 : i32
    %mul3A_27 = arith.muli %arg1, %mul3A_26 : i32
    %add3A_28 = arith.constant 4800 : i32
    %add3A_29 = arith.addi %mul3A_27, %add3A_28 : i32
    "tpu.region"() ({
      %run_scoped3A = tpu.sem_alloc : memref<!tpu.dma_semaphore, #tpu.memory_space<semaphore_mem>>
      %dma_start3A_102 = tpu.memref_slice %arg11[%add3A_29] : memref<204800xf32, #tpu.memory_space<vmem_shared>> -> memref<1600xf32, #tpu.memory_space<vmem_shared>>
      %dma_start3A_103 = tpu.memref_slice %arg11[%add3A_29] : memref<204800xf32, #tpu.memory_space<vmem_shared>> -> memref<1600xf32, #tpu.memory_space<vmem_shared>>
      tpu.enqueue_dma source(%arg10 : memref<1600xf32, #tpu.memory_space<vmem>>) target(%dma_start3A_103 : memref<1600xf32, #tpu.memory_space<vmem_shared>>) target_semaphore(%run_scoped3A : memref<!tpu.dma_semaphore, #tpu.memory_space<semaphore_mem>>)
      %dma_wait3A = tpu.memref_slice %arg11[%add3A_29] : memref<204800xf32, #tpu.memory_space<vmem_shared>> -> memref<1600xf32, #tpu.memory_space<vmem_shared>>
      %dma_wait3A_104 = tpu.memref_slice %arg11[%add3A_29] : memref<204800xf32, #tpu.memory_space<vmem_shared>> -> memref<1600xf32, #tpu.memory_space<vmem_shared>>
      tpu.wait_dma2 semaphore(%run_scoped3A : memref<!tpu.dma_semaphore, #tpu.memory_space<semaphore_mem>>) src(%arg10 : memref<1600xf32, #tpu.memory_space<vmem>>) dst(%dma_wait3A_104 : memref<1600xf32, #tpu.memory_space<vmem_shared>>)
      tpu.yield
    }) : () -> ()
    %mul3A_30 = arith.constant 12800 : i32
    %mul3A_31 = arith.muli %arg1, %mul3A_30 : i32
    %add3A_32 = arith.constant 6400 : i32
    %add3A_33 = arith.addi %mul3A_31, %add3A_32 : i32
    "tpu.region"() ({
      %run_scoped3A = tpu.sem_alloc : memref<!tpu.dma_semaphore, #tpu.memory_space<semaphore_mem>>
      %dma_start3A_102 = tpu.memref_slice %arg11[%add3A_33] : memref<204800xf32, #tpu.memory_space<vmem_shared>> -> memref<1600xf32, #tpu.memory_space<vmem_shared>>
      %dma_start3A_103 = tpu.memref_slice %arg11[%add3A_33] : memref<204800xf32, #tpu.memory_space<vmem_shared>> -> memref<1600xf32, #tpu.memory_space<vmem_shared>>
      tpu.enqueue_dma source(%arg10 : memref<1600xf32, #tpu.memory_space<vmem>>) target(%dma_start3A_103 : memref<1600xf32, #tpu.memory_space<vmem_shared>>) target_semaphore(%run_scoped3A : memref<!tpu.dma_semaphore, #tpu.memory_space<semaphore_mem>>)
      %dma_wait3A = tpu.memref_slice %arg11[%add3A_33] : memref<204800xf32, #tpu.memory_space<vmem_shared>> -> memref<1600xf32, #tpu.memory_space<vmem_shared>>
      %dma_wait3A_104 = tpu.memref_slice %arg11[%add3A_33] : memref<204800xf32, #tpu.memory_space<vmem_shared>> -> memref<1600xf32, #tpu.memory_space<vmem_shared>>
      tpu.wait_dma2 semaphore(%run_scoped3A : memref<!tpu.dma_semaphore, #tpu.memory_space<semaphore_mem>>) src(%arg10 : memref<1600xf32, #tpu.memory_space<vmem>>) dst(%dma_wait3A_104 : memref<1600xf32, #tpu.memory_space<vmem_shared>>)
      tpu.yield
    }) : () -> ()
    %mul3A_34 = arith.constant 12800 : i32
    %mul3A_35 = arith.muli %arg1, %mul3A_34 : i32
    %add3A_36 = arith.constant 8000 : i32
    %add3A_37 = arith.addi %mul3A_35, %add3A_36 : i32
    "tpu.region"() ({
      %run_scoped3A = tpu.sem_alloc : memref<!tpu.dma_semaphore, #tpu.memory_space<semaphore_mem>>
      %dma_start3A_102 = tpu.memref_slice %arg11[%add3A_37] : memref<204800xf32, #tpu.memory_space<vmem_shared>> -> memref<1600xf32, #tpu.memory_space<vmem_shared>>
      %dma_start3A_103 = tpu.memref_slice %arg11[%add3A_37] : memref<204800xf32, #tpu.memory_space<vmem_shared>> -> memref<1600xf32, #tpu.memory_space<vmem_shared>>
      tpu.enqueue_dma source(%arg10 : memref<1600xf32, #tpu.memory_space<vmem>>) target(%dma_start3A_103 : memref<1600xf32, #tpu.memory_space<vmem_shared>>) target_semaphore(%run_scoped3A : memref<!tpu.dma_semaphore, #tpu.memory_space<semaphore_mem>>)
      %dma_wait3A = tpu.memref_slice %arg11[%add3A_37] : memref<204800xf32, #tpu.memory_space<vmem_shared>> -> memref<1600xf32, #tpu.memory_space<vmem_shared>>
      %dma_wait3A_104 = tpu.memref_slice %arg11[%add3A_37] : memref<204800xf32, #tpu.memory_space<vmem_shared>> -> memref<1600xf32, #tpu.memory_space<vmem_shared>>
      tpu.wait_dma2 semaphore(%run_scoped3A : memref<!tpu.dma_semaphore, #tpu.memory_space<semaphore_mem>>) src(%arg10 : memref<1600xf32, #tpu.memory_space<vmem>>) dst(%dma_wait3A_104 : memref<1600xf32, #tpu.memory_space<vmem_shared>>)
      tpu.yield
    }) : () -> ()
    %mul3A_38 = arith.constant 12800 : i32
    %mul3A_39 = arith.muli %arg1, %mul3A_38 : i32
    %add3A_40 = arith.constant 9600 : i32
    %add3A_41 = arith.addi %mul3A_39, %add3A_40 : i32
    "tpu.region"() ({
      %run_scoped3A = tpu.sem_alloc : memref<!tpu.dma_semaphore, #tpu.memory_space<semaphore_mem>>
      %dma_start3A_102 = tpu.memref_slice %arg11[%add3A_41] : memref<204800xf32, #tpu.memory_space<vmem_shared>> -> memref<1600xf32, #tpu.memory_space<vmem_shared>>
      %dma_start3A_103 = tpu.memref_slice %arg11[%add3A_41] : memref<204800xf32, #tpu.memory_space<vmem_shared>> -> memref<1600xf32, #tpu.memory_space<vmem_shared>>
      tpu.enqueue_dma source(%arg10 : memref<1600xf32, #tpu.memory_space<vmem>>) target(%dma_start3A_103 : memref<1600xf32, #tpu.memory_space<vmem_shared>>) target_semaphore(%run_scoped3A : memref<!tpu.dma_semaphore, #tpu.memory_space<semaphore_mem>>)
      %dma_wait3A = tpu.memref_slice %arg11[%add3A_41] : memref<204800xf32, #tpu.memory_space<vmem_shared>> -> memref<1600xf32, #tpu.memory_space<vmem_shared>>
      %dma_wait3A_104 = tpu.memref_slice %arg11[%add3A_41] : memref<204800xf32, #tpu.memory_space<vmem_shared>> -> memref<1600xf32, #tpu.memory_space<vmem_shared>>
      tpu.wait_dma2 semaphore(%run_scoped3A : memref<!tpu.dma_semaphore, #tpu.memory_space<semaphore_mem>>) src(%arg10 : memref<1600xf32, #tpu.memory_space<vmem>>) dst(%dma_wait3A_104 : memref<1600xf32, #tpu.memory_space<vmem_shared>>)
      tpu.yield
    }) : () -> ()
    %mul3A_42 = arith.constant 12800 : i32
    %mul3A_43 = arith.muli %arg1, %mul3A_42 : i32
    %add3A_44 = arith.constant 11200 : i32
    %add3A_45 = arith.addi %mul3A_43, %add3A_44 : i32
    "tpu.region"() ({
      %run_scoped3A = tpu.sem_alloc : memref<!tpu.dma_semaphore, #tpu.memory_space<semaphore_mem>>
      %dma_start3A_102 = tpu.memref_slice %arg11[%add3A_45] : memref<204800xf32, #tpu.memory_space<vmem_shared>> -> memref<1600xf32, #tpu.memory_space<vmem_shared>>
      %dma_start3A_103 = tpu.memref_slice %arg11[%add3A_45] : memref<204800xf32, #tpu.memory_space<vmem_shared>> -> memref<1600xf32, #tpu.memory_space<vmem_shared>>
      tpu.enqueue_dma source(%arg10 : memref<1600xf32, #tpu.memory_space<vmem>>) target(%dma_start3A_103 : memref<1600xf32, #tpu.memory_space<vmem_shared>>) target_semaphore(%run_scoped3A : memref<!tpu.dma_semaphore, #tpu.memory_space<semaphore_mem>>)
      %dma_wait3A = tpu.memref_slice %arg11[%add3A_45] : memref<204800xf32, #tpu.memory_space<vmem_shared>> -> memref<1600xf32, #tpu.memory_space<vmem_shared>>
      %dma_wait3A_104 = tpu.memref_slice %arg11[%add3A_45] : memref<204800xf32, #tpu.memory_space<vmem_shared>> -> memref<1600xf32, #tpu.memory_space<vmem_shared>>
      tpu.wait_dma2 semaphore(%run_scoped3A : memref<!tpu.dma_semaphore, #tpu.memory_space<semaphore_mem>>) src(%arg10 : memref<1600xf32, #tpu.memory_space<vmem>>) dst(%dma_wait3A_104 : memref<1600xf32, #tpu.memory_space<vmem_shared>>)
      tpu.yield
    }) : () -> ()
    tpu.enqueue_dma source(%arg2 : memref<100000xi32, #tpu.memory_space<hbm>>) target(%arg5 : memref<100000xi32, #tpu.memory_space<vmem>>) target_semaphore(%arg14 : memref<!tpu.dma_semaphore, #tpu.memory_space<semaphore_mem>>)
    %add3A_46 = arith.constant 0 : i32
    %add3A_47 = arith.addi %add3A, %add3A_46 : i32
    %mul3A_48 = arith.constant 2048 : i32
    %mul3A_49 = arith.muli %add3A_47, %mul3A_48 : i32
    %dma_start3A = arith.constant 0 : i32
    %dma_start3A_50 = arith.constant 0 : i32
    %dma_start3A_51 = arith.constant 0 : i32
    %dma_start3A_52 = tpu.memref_slice %arg6[%dma_start3A, %dma_start3A_50, %dma_start3A_51] : memref<2x2x2048xi32, #tpu.memory_space<vmem>> -> memref<1x2x2048xi32, #tpu.memory_space<vmem>>
    %dma_start3A_53 = tpu.memref_squeeze %dma_start3A_52 : memref<1x2x2048xi32, #tpu.memory_space<vmem>> -> memref<2x2048xi32, #tpu.memory_space<vmem>>
    %dma_start3A_54 = arith.constant 0 : i32
    %dma_start3A_55 = tpu.memref_slice %arg3[%dma_start3A_54, %mul3A_49] : memref<2x6400000xi32, #tpu.memory_space<hbm>> -> memref<2x2048xi32, #tpu.memory_space<hbm>>
    %dma_start3A_56 = arith.constant 0 : i32
    %dma_start3A_57 = arith.constant 0 : i32
    %dma_start3A_58 = tpu.memref_slice %arg6[%dma_start3A, %dma_start3A_56, %dma_start3A_57] : memref<2x2x2048xi32, #tpu.memory_space<vmem>> -> memref<1x2x2048xi32, #tpu.memory_space<vmem>>
    %dma_start3A_59 = tpu.memref_squeeze %dma_start3A_58 : memref<1x2x2048xi32, #tpu.memory_space<vmem>> -> memref<2x2048xi32, #tpu.memory_space<vmem>>
    %dma_start3A_60 = arith.constant 0 : i32
    %dma_start3A_61 = tpu.memref_slice %arg3[%dma_start3A_60, %mul3A_49] : memref<2x6400000xi32, #tpu.memory_space<hbm>> -> memref<2x2048xi32, #tpu.memory_space<hbm>>
    tpu.enqueue_dma source(%dma_start3A_61 : memref<2x2048xi32, #tpu.memory_space<hbm>>) target(%dma_start3A_59 : memref<2x2048xi32, #tpu.memory_space<vmem>>) target_semaphore(%arg12 : memref<!tpu.dma_semaphore, #tpu.memory_space<semaphore_mem>>)
    %add3A_62 = arith.constant 32 : i32
    %add3A_63 = arith.addi %add3A, %add3A_62 : i32
    %mul3A_64 = arith.constant 2048 : i32
    %mul3A_65 = arith.muli %add3A_63, %mul3A_64 : i32
    %dma_start3A_66 = arith.constant 1 : i32
    %dma_start3A_67 = arith.constant 0 : i32
    %dma_start3A_68 = arith.constant 0 : i32
    %dma_start3A_69 = tpu.memref_slice %arg6[%dma_start3A_66, %dma_start3A_67, %dma_start3A_68] : memref<2x2x2048xi32, #tpu.memory_space<vmem>> -> memref<1x2x2048xi32, #tpu.memory_space<vmem>>
    %dma_start3A_70 = tpu.memref_squeeze %dma_start3A_69 : memref<1x2x2048xi32, #tpu.memory_space<vmem>> -> memref<2x2048xi32, #tpu.memory_space<vmem>>
    %dma_start3A_71 = arith.constant 0 : i32
    %dma_start3A_72 = tpu.memref_slice %arg3[%dma_start3A_71, %mul3A_65] : memref<2x6400000xi32, #tpu.memory_space<hbm>> -> memref<2x2048xi32, #tpu.memory_space<hbm>>
    %dma_start3A_73 = arith.constant 0 : i32
    %dma_start3A_74 = arith.constant 0 : i32
    %dma_start3A_75 = tpu.memref_slice %arg6[%dma_start3A_66, %dma_start3A_73, %dma_start3A_74] : memref<2x2x2048xi32, #tpu.memory_space<vmem>> -> memref<1x2x2048xi32, #tpu.memory_space<vmem>>
    %dma_start3A_76 = tpu.memref_squeeze %dma_start3A_75 : memref<1x2x2048xi32, #tpu.memory_space<vmem>> -> memref<2x2048xi32, #tpu.memory_space<vmem>>
    %dma_start3A_77 = arith.constant 0 : i32
    %dma_start3A_78 = tpu.memref_slice %arg3[%dma_start3A_77, %mul3A_65] : memref<2x6400000xi32, #tpu.memory_space<hbm>> -> memref<2x2048xi32, #tpu.memory_space<hbm>>
    tpu.enqueue_dma source(%dma_start3A_78 : memref<2x2048xi32, #tpu.memory_space<hbm>>) target(%dma_start3A_76 : memref<2x2048xi32, #tpu.memory_space<vmem>>) target_semaphore(%arg13 : memref<!tpu.dma_semaphore, #tpu.memory_space<semaphore_mem>>)
    tpu.wait_dma2 semaphore(%arg14 : memref<!tpu.dma_semaphore, #tpu.memory_space<semaphore_mem>>) src(%arg2 : memref<100000xi32, #tpu.memory_space<hbm>>) dst(%arg5 : memref<100000xi32, #tpu.memory_space<vmem>>)
    %barrier3A = arith.constant 0 : index
    tpu.barrier barrier_id(%barrier3A)
    %scan3A_79 = arith.constant 0 : i32
    %scan3A_80 = arith.constant 0 : i32
    %scan3A_81 = arith.constant 49 : i32
    %scan3A_82 = arith.addi %scan3A_80, %scan3A_81 : i32
    %scan3A_83 = arith.constant 1 : i32
    %scan3A_84 = scf.for %scan3A_102 = %scan3A_80 to %scan3A_82 step %scan3A_83 iter_args(%scan3A_103 = %scan3A_79) -> (i32)  : i32 {
      %mul3A_104 = arith.constant 2 : i32
      %mul3A_105 = arith.muli %mul3A_104, %scan3A_102 : i32
      %mul3A_106 = arith.constant 32 : i32
      %mul3A_107 = arith.muli %mul3A_105, %mul3A_106 : i32
      %add3A_108 = arith.addi %add3A, %mul3A_107 : i32
      %lt3A_109 = arith.constant 3125 : i32
      %lt3A_110 = arith.cmpi slt, %add3A_108, %lt3A_109 : i32
      %convert_element_type3A_111 = arith.extui %lt3A_110 : i1 to i32
      %cond3A_112 = arith.constant 0 : i32
      %cond3A_113 = arith.cmpi ne, %convert_element_type3A_111, %cond3A_112 : i32
      scf.if %cond3A_113 {
        %mul3A_127 = arith.constant 2048 : i32
        %mul3A_128 = arith.muli %add3A_108, %mul3A_127 : i32
        %dma_wait3A = arith.constant 0 : i32
        %dma_wait3A_129 = arith.constant 0 : i32
        %dma_wait3A_130 = arith.constant 0 : i32
        %dma_wait3A_131 = tpu.memref_slice %arg6[%dma_wait3A, %dma_wait3A_129, %dma_wait3A_130] : memref<2x2x2048xi32, #tpu.memory_space<vmem>> -> memref<1x2x2048xi32, #tpu.memory_space<vmem>>
        %dma_wait3A_132 = tpu.memref_squeeze %dma_wait3A_131 : memref<1x2x2048xi32, #tpu.memory_space<vmem>> -> memref<2x2048xi32, #tpu.memory_space<vmem>>
        %dma_wait3A_133 = arith.constant 0 : i32
        %dma_wait3A_134 = tpu.memref_slice %arg3[%dma_wait3A_133, %mul3A_128] : memref<2x6400000xi32, #tpu.memory_space<hbm>> -> memref<2x2048xi32, #tpu.memory_space<hbm>>
        %dma_wait3A_135 = arith.constant 0 : i32
        %dma_wait3A_136 = arith.constant 0 : i32
        %dma_wait3A_137 = tpu.memref_slice %arg6[%dma_wait3A, %dma_wait3A_135, %dma_wait3A_136] : memref<2x2x2048xi32, #tpu.memory_space<vmem>> -> memref<1x2x2048xi32, #tpu.memory_space<vmem>>
        %dma_wait3A_138 = tpu.memref_squeeze %dma_wait3A_137 : memref<1x2x2048xi32, #tpu.memory_space<vmem>> -> memref<2x2048xi32, #tpu.memory_space<vmem>>
        %dma_wait3A_139 = arith.constant 0 : i32
        %dma_wait3A_140 = tpu.memref_slice %arg3[%dma_wait3A_139, %mul3A_128] : memref<2x6400000xi32, #tpu.memory_space<hbm>> -> memref<2x2048xi32, #tpu.memory_space<hbm>>
        tpu.wait_dma2 semaphore(%arg12 : memref<!tpu.dma_semaphore, #tpu.memory_space<semaphore_mem>>) src(%dma_wait3A_140 : memref<2x2048xi32, #tpu.memory_space<hbm>>) dst(%dma_wait3A_138 : memref<2x2048xi32, #tpu.memory_space<vmem>>)
        %ge3A = arith.constant 2 : i32
        %ge3A_141 = arith.cmpi sge, %mul3A_105, %ge3A : i32
        %convert_element_type3A_142 = arith.extui %ge3A_141 : i1 to i32
        %cond3A_143 = arith.constant 0 : i32
        %cond3A_144 = arith.cmpi ne, %convert_element_type3A_142, %cond3A_143 : i32
        scf.if %cond3A_144 {
          %dma_wait3A_157 = arith.constant 0 : i32
          %dma_wait3A_158 = tpu.memref_slice %arg11[%dma_wait3A_157] : memref<204800xf32, #tpu.memory_space<vmem_shared>> -> memref<204800xf32, #tpu.memory_space<vmem_shared>>
          tpu.wait_indirect_dma semaphore(%arg14 : memref<!tpu.dma_semaphore, #tpu.memory_space<semaphore_mem>>) src(%arg9 : memref<2048xf32, #tpu.memory_space<vmem>>) dst(%dma_wait3A_158 : memref<204800xf32, #tpu.memory_space<vmem_shared>>)
        } else {
        }
        %parallel_loop3A = arith.constant 0 : i32
        %parallel_loop3A_145 = arith.constant 128 : i32
        %parallel_loop3A_146 = arith.constant 1 : i32
        scf.for %parallel_loop3A_157 = %parallel_loop3A to %parallel_loop3A_145 step %parallel_loop3A_146  : i32 {
          %parallel_loop3A_158 = arith.constant 16 : i32
          %parallel_loop3A_159 = arith.muli %parallel_loop3A_157, %parallel_loop3A_158 : i32
          %parallel_loop3A_160 = arith.constant 0 : i32
          %parallel_loop3A_161 = arith.constant 0 : i32
          %parallel_loop3A_162 = arith.index_cast %parallel_loop3A_160 : i32 to index
          %parallel_loop3A_163 = arith.index_cast %parallel_loop3A_161 : i32 to index
          %parallel_loop3A_164 = arith.index_cast %parallel_loop3A_159 : i32 to index
          %parallel_loop3A_165 = tpu.vector_load %arg6[%parallel_loop3A_162, %parallel_loop3A_163, %parallel_loop3A_164] {strides = array<i32>} : memref<2x2x2048xi32, #tpu.memory_space<vmem>>, vector<16xi32>,
          %parallel_loop3A_166 = arith.constant 16 : i32
          %parallel_loop3A_167 = arith.muli %parallel_loop3A_157, %parallel_loop3A_166 : i32
          %parallel_loop3A_168 = arith.constant 0 : i32
          %parallel_loop3A_169 = arith.constant 1 : i32
          %parallel_loop3A_170 = arith.index_cast %parallel_loop3A_168 : i32 to index
          %parallel_loop3A_171 = arith.index_cast %parallel_loop3A_169 : i32 to index
          %parallel_loop3A_172 = arith.index_cast %parallel_loop3A_167 : i32 to index
          %parallel_loop3A_173 = tpu.vector_load %arg6[%parallel_loop3A_170, %parallel_loop3A_171, %parallel_loop3A_172] {strides = array<i32>} : memref<2x2x2048xi32, #tpu.memory_space<vmem>>, vector<16xi32>,
          %parallel_loop3A_174 = tpu.vector_load_idx %arg5[%parallel_loop3A_165] : memref<100000xi32, #tpu.memory_space<vmem>>[vector<16xi32>], vector<16xi32>,
          %parallel_loop3A_175 = arith.constant 1 : i32
          %parallel_loop3A_176 = vector.broadcast %parallel_loop3A_175 : i32 to vector<16xi32>
          %parallel_loop3A_177 = arith.shrui %parallel_loop3A_174, %parallel_loop3A_176 : vector<16xi32>
          %parallel_loop3A_178 = arith.addi %parallel_loop3A_173, %parallel_loop3A_177 : vector<16xi32>
          %parallel_loop3A_179 = arith.constant 0 : i32
          %parallel_loop3A_180 = vector.broadcast %parallel_loop3A_179 : i32 to vector<16xi32>
          %parallel_loop3A_181 = arith.cmpi eq, %parallel_loop3A_174, %parallel_loop3A_180 : vector<16xi32>
          %parallel_loop3A_182 = arith.constant -1 : i32
          %parallel_loop3A_183 = vector.broadcast %parallel_loop3A_182 : i32 to vector<16xi32>
          %parallel_loop3A_184 = arith.select %parallel_loop3A_181, %parallel_loop3A_183, %parallel_loop3A_178 : vector<16xi1>, vector<16xi32>
          %parallel_loop3A_185 = arith.constant 16 : i32
          %parallel_loop3A_186 = arith.muli %parallel_loop3A_157, %parallel_loop3A_185 : i32
          %parallel_loop3A_187 = arith.index_cast %parallel_loop3A_186 : i32 to index
          %parallel_loop3A_188 = tpu.vector_load %arg7[%parallel_loop3A_187] {strides = array<i32>} : memref<2048xi32, #tpu.memory_space<vmem>>, vector<16xi32>,
          tpu.vector_store %arg7[%parallel_loop3A_187], %parallel_loop3A_184 {strides = array<i32>} : memref<2048xi32, #tpu.memory_space<vmem>>, vector<16xi32>,
        } {sc.loop_unroll_factor = 8 : i64, sc.parallel_access}
        %add3A_147 = arith.constant 64 : i32
        %add3A_148 = arith.addi %add3A_108, %add3A_147 : i32
        %lt3A_149 = arith.constant 3125 : i32
        %lt3A_150 = arith.cmpi slt, %add3A_148, %lt3A_149 : i32
        %convert_element_type3A_151 = arith.extui %lt3A_150 : i1 to i32
        %cond3A_152 = arith.constant 0 : i32
        %cond3A_153 = arith.cmpi ne, %convert_element_type3A_151, %cond3A_152 : i32
        scf.if %cond3A_153 {
          %mul3A_157 = arith.constant 2048 : i32
          %mul3A_158 = arith.muli %add3A_148, %mul3A_157 : i32
          %dma_start3A_159 = arith.constant 0 : i32
          %dma_start3A_160 = arith.constant 0 : i32
          %dma_start3A_161 = arith.constant 0 : i32
          %dma_start3A_162 = tpu.memref_slice %arg6[%dma_start3A_159, %dma_start3A_160, %dma_start3A_161] : memref<2x2x2048xi32, #tpu.memory_space<vmem>> -> memref<1x2x2048xi32, #tpu.memory_space<vmem>>
          %dma_start3A_163 = tpu.memref_squeeze %dma_start3A_162 : memref<1x2x2048xi32, #tpu.memory_space<vmem>> -> memref<2x2048xi32, #tpu.memory_space<vmem>>
          %dma_start3A_164 = arith.constant 0 : i32
          %dma_start3A_165 = tpu.memref_slice %arg3[%dma_start3A_164, %mul3A_158] : memref<2x6400000xi32, #tpu.memory_space<hbm>> -> memref<2x2048xi32, #tpu.memory_space<hbm>>
          %dma_start3A_166 = arith.constant 0 : i32
          %dma_start3A_167 = arith.constant 0 : i32
          %dma_start3A_168 = tpu.memref_slice %arg6[%dma_start3A_159, %dma_start3A_166, %dma_start3A_167] : memref<2x2x2048xi32, #tpu.memory_space<vmem>> -> memref<1x2x2048xi32, #tpu.memory_space<vmem>>
          %dma_start3A_169 = tpu.memref_squeeze %dma_start3A_168 : memref<1x2x2048xi32, #tpu.memory_space<vmem>> -> memref<2x2048xi32, #tpu.memory_space<vmem>>
          %dma_start3A_170 = arith.constant 0 : i32
          %dma_start3A_171 = tpu.memref_slice %arg3[%dma_start3A_170, %mul3A_158] : memref<2x6400000xi32, #tpu.memory_space<hbm>> -> memref<2x2048xi32, #tpu.memory_space<hbm>>
          tpu.enqueue_dma source(%dma_start3A_171 : memref<2x2048xi32, #tpu.memory_space<hbm>>) target(%dma_start3A_169 : memref<2x2048xi32, #tpu.memory_space<vmem>>) target_semaphore(%arg12 : memref<!tpu.dma_semaphore, #tpu.memory_space<semaphore_mem>>)
        } else {
        }
        %dma_start3A_154 = arith.constant 0 : i32
        %dma_start3A_155 = tpu.memref_slice %arg11[%dma_start3A_154] : memref<204800xf32, #tpu.memory_space<vmem_shared>> -> memref<204800xf32, #tpu.memory_space<vmem_shared>>
        %dma_start3A_156 = arith.constant -1 : i32
        tpu.enqueue_indirect_dma source(%arg9 : memref<2048xf32, #tpu.memory_space<vmem>>) target(%dma_start3A_155 : memref<204800xf32, #tpu.memory_space<vmem_shared>>) offsets(%arg7 : memref<2048xi32, #tpu.memory_space<vmem>>) offset_filter(%dma_start3A_156) semaphore(%arg14 : memref<!tpu.dma_semaphore, #tpu.memory_space<semaphore_mem>>) {add = true}
      } else {
      }
      %mul3A_114 = arith.constant 2 : i32
      %mul3A_115 = arith.muli %mul3A_114, %scan3A_102 : i32
      %add3A_116 = arith.constant 1 : i32
      %add3A_117 = arith.addi %mul3A_115, %add3A_116 : i32
      %mul3A_118 = arith.constant 32 : i32
      %mul3A_119 = arith.muli %add3A_117, %mul3A_118 : i32
      %add3A_120 = arith.addi %add3A, %mul3A_119 : i32
      %lt3A_121 = arith.constant 3125 : i32
      %lt3A_122 = arith.cmpi slt, %add3A_120, %lt3A_121 : i32
      %convert_element_type3A_123 = arith.extui %lt3A_122 : i1 to i32
      %cond3A_124 = arith.constant 0 : i32
      %cond3A_125 = arith.cmpi ne, %convert_element_type3A_123, %cond3A_124 : i32
      scf.if %cond3A_125 {
        %mul3A_127 = arith.constant 2048 : i32
        %mul3A_128 = arith.muli %add3A_120, %mul3A_127 : i32
        %dma_wait3A = arith.constant 1 : i32
        %dma_wait3A_129 = arith.constant 0 : i32
        %dma_wait3A_130 = arith.constant 0 : i32
        %dma_wait3A_131 = tpu.memref_slice %arg6[%dma_wait3A, %dma_wait3A_129, %dma_wait3A_130] : memref<2x2x2048xi32, #tpu.memory_space<vmem>> -> memref<1x2x2048xi32, #tpu.memory_space<vmem>>
        %dma_wait3A_132 = tpu.memref_squeeze %dma_wait3A_131 : memref<1x2x2048xi32, #tpu.memory_space<vmem>> -> memref<2x2048xi32, #tpu.memory_space<vmem>>
        %dma_wait3A_133 = arith.constant 0 : i32
        %dma_wait3A_134 = tpu.memref_slice %arg3[%dma_wait3A_133, %mul3A_128] : memref<2x6400000xi32, #tpu.memory_space<hbm>> -> memref<2x2048xi32, #tpu.memory_space<hbm>>
        %dma_wait3A_135 = arith.constant 0 : i32
        %dma_wait3A_136 = arith.constant 0 : i32
        %dma_wait3A_137 = tpu.memref_slice %arg6[%dma_wait3A, %dma_wait3A_135, %dma_wait3A_136] : memref<2x2x2048xi32, #tpu.memory_space<vmem>> -> memref<1x2x2048xi32, #tpu.memory_space<vmem>>
        %dma_wait3A_138 = tpu.memref_squeeze %dma_wait3A_137 : memref<1x2x2048xi32, #tpu.memory_space<vmem>> -> memref<2x2048xi32, #tpu.memory_space<vmem>>
        %dma_wait3A_139 = arith.constant 0 : i32
        %dma_wait3A_140 = tpu.memref_slice %arg3[%dma_wait3A_139, %mul3A_128] : memref<2x6400000xi32, #tpu.memory_space<hbm>> -> memref<2x2048xi32, #tpu.memory_space<hbm>>
        tpu.wait_dma2 semaphore(%arg13 : memref<!tpu.dma_semaphore, #tpu.memory_space<semaphore_mem>>) src(%dma_wait3A_140 : memref<2x2048xi32, #tpu.memory_space<hbm>>) dst(%dma_wait3A_138 : memref<2x2048xi32, #tpu.memory_space<vmem>>)
        %ge3A = arith.constant 2 : i32
        %ge3A_141 = arith.cmpi sge, %add3A_117, %ge3A : i32
        %convert_element_type3A_142 = arith.extui %ge3A_141 : i1 to i32
        %cond3A_143 = arith.constant 0 : i32
        %cond3A_144 = arith.cmpi ne, %convert_element_type3A_142, %cond3A_143 : i32
        scf.if %cond3A_144 {
          %dma_wait3A_157 = arith.constant 0 : i32
          %dma_wait3A_158 = tpu.memref_slice %arg11[%dma_wait3A_157] : memref<204800xf32, #tpu.memory_space<vmem_shared>> -> memref<204800xf32, #tpu.memory_space<vmem_shared>>
          tpu.wait_indirect_dma semaphore(%arg14 : memref<!tpu.dma_semaphore, #tpu.memory_space<semaphore_mem>>) src(%arg9 : memref<2048xf32, #tpu.memory_space<vmem>>) dst(%dma_wait3A_158 : memref<204800xf32, #tpu.memory_space<vmem_shared>>)
        } else {
        }
        %parallel_loop3A = arith.constant 0 : i32
        %parallel_loop3A_145 = arith.constant 128 : i32
        %parallel_loop3A_146 = arith.constant 1 : i32
        scf.for %parallel_loop3A_157 = %parallel_loop3A to %parallel_loop3A_145 step %parallel_loop3A_146  : i32 {
          %parallel_loop3A_158 = arith.constant 16 : i32
          %parallel_loop3A_159 = arith.muli %parallel_loop3A_157, %parallel_loop3A_158 : i32
          %parallel_loop3A_160 = arith.constant 1 : i32
          %parallel_loop3A_161 = arith.constant 0 : i32
          %parallel_loop3A_162 = arith.index_cast %parallel_loop3A_160 : i32 to index
          %parallel_loop3A_163 = arith.index_cast %parallel_loop3A_161 : i32 to index
          %parallel_loop3A_164 = arith.index_cast %parallel_loop3A_159 : i32 to index
          %parallel_loop3A_165 = tpu.vector_load %arg6[%parallel_loop3A_162, %parallel_loop3A_163, %parallel_loop3A_164] {strides = array<i32>} : memref<2x2x2048xi32, #tpu.memory_space<vmem>>, vector<16xi32>,
          %parallel_loop3A_166 = arith.constant 16 : i32
          %parallel_loop3A_167 = arith.muli %parallel_loop3A_157, %parallel_loop3A_166 : i32
          %parallel_loop3A_168 = arith.constant 1 : i32
          %parallel_loop3A_169 = arith.constant 1 : i32
          %parallel_loop3A_170 = arith.index_cast %parallel_loop3A_168 : i32 to index
          %parallel_loop3A_171 = arith.index_cast %parallel_loop3A_169 : i32 to index
          %parallel_loop3A_172 = arith.index_cast %parallel_loop3A_167 : i32 to index
          %parallel_loop3A_173 = tpu.vector_load %arg6[%parallel_loop3A_170, %parallel_loop3A_171, %parallel_loop3A_172] {strides = array<i32>} : memref<2x2x2048xi32, #tpu.memory_space<vmem>>, vector<16xi32>,
          %parallel_loop3A_174 = tpu.vector_load_idx %arg5[%parallel_loop3A_165] : memref<100000xi32, #tpu.memory_space<vmem>>[vector<16xi32>], vector<16xi32>,
          %parallel_loop3A_175 = arith.constant 1 : i32
          %parallel_loop3A_176 = vector.broadcast %parallel_loop3A_175 : i32 to vector<16xi32>
          %parallel_loop3A_177 = arith.shrui %parallel_loop3A_174, %parallel_loop3A_176 : vector<16xi32>
          %parallel_loop3A_178 = arith.addi %parallel_loop3A_173, %parallel_loop3A_177 : vector<16xi32>
          %parallel_loop3A_179 = arith.constant 0 : i32
          %parallel_loop3A_180 = vector.broadcast %parallel_loop3A_179 : i32 to vector<16xi32>
          %parallel_loop3A_181 = arith.cmpi eq, %parallel_loop3A_174, %parallel_loop3A_180 : vector<16xi32>
          %parallel_loop3A_182 = arith.constant -1 : i32
          %parallel_loop3A_183 = vector.broadcast %parallel_loop3A_182 : i32 to vector<16xi32>
          %parallel_loop3A_184 = arith.select %parallel_loop3A_181, %parallel_loop3A_183, %parallel_loop3A_178 : vector<16xi1>, vector<16xi32>
          %parallel_loop3A_185 = arith.constant 16 : i32
          %parallel_loop3A_186 = arith.muli %parallel_loop3A_157, %parallel_loop3A_185 : i32
          %parallel_loop3A_187 = arith.index_cast %parallel_loop3A_186 : i32 to index
          %parallel_loop3A_188 = tpu.vector_load %arg8[%parallel_loop3A_187] {strides = array<i32>} : memref<2048xi32, #tpu.memory_space<vmem>>, vector<16xi32>,
          tpu.vector_store %arg8[%parallel_loop3A_187], %parallel_loop3A_184 {strides = array<i32>} : memref<2048xi32, #tpu.memory_space<vmem>>, vector<16xi32>,
        } {sc.loop_unroll_factor = 8 : i64, sc.parallel_access}
        %add3A_147 = arith.constant 64 : i32
        %add3A_148 = arith.addi %add3A_120, %add3A_147 : i32
        %lt3A_149 = arith.constant 3125 : i32
        %lt3A_150 = arith.cmpi slt, %add3A_148, %lt3A_149 : i32
        %convert_element_type3A_151 = arith.extui %lt3A_150 : i1 to i32
        %cond3A_152 = arith.constant 0 : i32
        %cond3A_153 = arith.cmpi ne, %convert_element_type3A_151, %cond3A_152 : i32
        scf.if %cond3A_153 {
          %mul3A_157 = arith.constant 2048 : i32
          %mul3A_158 = arith.muli %add3A_148, %mul3A_157 : i32
          %dma_start3A_159 = arith.constant 1 : i32
          %dma_start3A_160 = arith.constant 0 : i32
          %dma_start3A_161 = arith.constant 0 : i32
          %dma_start3A_162 = tpu.memref_slice %arg6[%dma_start3A_159, %dma_start3A_160, %dma_start3A_161] : memref<2x2x2048xi32, #tpu.memory_space<vmem>> -> memref<1x2x2048xi32, #tpu.memory_space<vmem>>
          %dma_start3A_163 = tpu.memref_squeeze %dma_start3A_162 : memref<1x2x2048xi32, #tpu.memory_space<vmem>> -> memref<2x2048xi32, #tpu.memory_space<vmem>>
          %dma_start3A_164 = arith.constant 0 : i32
          %dma_start3A_165 = tpu.memref_slice %arg3[%dma_start3A_164, %mul3A_158] : memref<2x6400000xi32, #tpu.memory_space<hbm>> -> memref<2x2048xi32, #tpu.memory_space<hbm>>
          %dma_start3A_166 = arith.constant 0 : i32
          %dma_start3A_167 = arith.constant 0 : i32
          %dma_start3A_168 = tpu.memref_slice %arg6[%dma_start3A_159, %dma_start3A_166, %dma_start3A_167] : memref<2x2x2048xi32, #tpu.memory_space<vmem>> -> memref<1x2x2048xi32, #tpu.memory_space<vmem>>
          %dma_start3A_169 = tpu.memref_squeeze %dma_start3A_168 : memref<1x2x2048xi32, #tpu.memory_space<vmem>> -> memref<2x2048xi32, #tpu.memory_space<vmem>>
          %dma_start3A_170 = arith.constant 0 : i32
          %dma_start3A_171 = tpu.memref_slice %arg3[%dma_start3A_170, %mul3A_158] : memref<2x6400000xi32, #tpu.memory_space<hbm>> -> memref<2x2048xi32, #tpu.memory_space<hbm>>
          tpu.enqueue_dma source(%dma_start3A_171 : memref<2x2048xi32, #tpu.memory_space<hbm>>) target(%dma_start3A_169 : memref<2x2048xi32, #tpu.memory_space<vmem>>) target_semaphore(%arg13 : memref<!tpu.dma_semaphore, #tpu.memory_space<semaphore_mem>>)
        } else {
        }
        %dma_start3A_154 = arith.constant 0 : i32
        %dma_start3A_155 = tpu.memref_slice %arg11[%dma_start3A_154] : memref<204800xf32, #tpu.memory_space<vmem_shared>> -> memref<204800xf32, #tpu.memory_space<vmem_shared>>
        %dma_start3A_156 = arith.constant -1 : i32
        tpu.enqueue_indirect_dma source(%arg9 : memref<2048xf32, #tpu.memory_space<vmem>>) target(%dma_start3A_155 : memref<204800xf32, #tpu.memory_space<vmem_shared>>) offsets(%arg8 : memref<2048xi32, #tpu.memory_space<vmem>>) offset_filter(%dma_start3A_156) semaphore(%arg14 : memref<!tpu.dma_semaphore, #tpu.memory_space<semaphore_mem>>) {add = true}
      } else {
      }
      %scan3A_126 = arith.constant 0 : i32
      scf.yield %scan3A_126 : i32
    }
    %scan3A_85 = arith.constant 49 : i32
    %add3A_86 = arith.constant 3072 : i32
    %add3A_87 = arith.addi %add3A, %add3A_86 : i32
    %lt3A = arith.constant 3125 : i32
    %lt3A_88 = arith.cmpi slt, %add3A_87, %lt3A : i32
    %convert_element_type3A = arith.extui %lt3A_88 : i1 to i32
    %cond3A = arith.constant 0 : i32
    %cond3A_89 = arith.cmpi ne, %convert_element_type3A, %cond3A : i32
    scf.if %cond3A_89 {
      %dma_wait3A = arith.constant 0 : i32
      %dma_wait3A_102 = tpu.memref_slice %arg11[%dma_wait3A] : memref<204800xf32, #tpu.memory_space<vmem_shared>> -> memref<204800xf32, #tpu.memory_space<vmem_shared>>
      tpu.wait_indirect_dma semaphore(%arg14 : memref<!tpu.dma_semaphore, #tpu.memory_space<semaphore_mem>>) src(%arg9 : memref<2048xf32, #tpu.memory_space<vmem>>) dst(%dma_wait3A_102 : memref<204800xf32, #tpu.memory_space<vmem_shared>>)
    } else {
    }
    %add3A_90 = arith.constant 3104 : i32
    %add3A_91 = arith.addi %add3A, %add3A_90 : i32
    %lt3A_92 = arith.constant 3125 : i32
    %lt3A_93 = arith.cmpi slt, %add3A_91, %lt3A_92 : i32
    %convert_element_type3A_94 = arith.extui %lt3A_93 : i1 to i32
    %cond3A_95 = arith.constant 0 : i32
    %cond3A_96 = arith.cmpi ne, %convert_element_type3A_94, %cond3A_95 : i32
    scf.if %cond3A_96 {
      %dma_wait3A = arith.constant 0 : i32
      %dma_wait3A_102 = tpu.memref_slice %arg11[%dma_wait3A] : memref<204800xf32, #tpu.memory_space<vmem_shared>> -> memref<204800xf32, #tpu.memory_space<vmem_shared>>
      tpu.wait_indirect_dma semaphore(%arg14 : memref<!tpu.dma_semaphore, #tpu.memory_space<semaphore_mem>>) src(%arg9 : memref<2048xf32, #tpu.memory_space<vmem>>) dst(%dma_wait3A_102 : memref<204800xf32, #tpu.memory_space<vmem_shared>>)
    } else {
    }
    %barrier3A_97 = arith.constant 0 : index
    tpu.barrier barrier_id(%barrier3A_97)
    %mul3A_98 = arith.constant 12800 : i32
    %mul3A_99 = arith.muli %arg1, %mul3A_98 : i32
    %mul3A_100 = arith.constant 12800 : i32
    %mul3A_101 = arith.muli %arg1, %mul3A_100 : i32
    "tpu.region"() ({
      %run_scoped3A = tpu.sem_alloc : memref<!tpu.dma_semaphore, #tpu.memory_space<semaphore_mem>>
      %dma_start3A_102 = tpu.memref_slice %arg4[%arg0, %mul3A_101] : memref<2x204800xf32, #tpu.memory_space<hbm>> -> memref<1x12800xf32, #tpu.memory_space<hbm>>
      %dma_start3A_103 = tpu.memref_squeeze %dma_start3A_102 : memref<1x12800xf32, #tpu.memory_space<hbm>> -> memref<12800xf32, #tpu.memory_space<hbm>>
      %dma_start3A_104 = tpu.memref_slice %arg11[%mul3A_99] : memref<204800xf32, #tpu.memory_space<vmem_shared>> -> memref<12800xf32, #tpu.memory_space<vmem_shared>>
      tpu.enqueue_dma source(%dma_start3A_104 : memref<12800xf32, #tpu.memory_space<vmem_shared>>) target(%dma_start3A_103 : memref<12800xf32, #tpu.memory_space<hbm>>) target_semaphore(%run_scoped3A : memref<!tpu.dma_semaphore, #tpu.memory_space<semaphore_mem>>)
      %dma_wait3A = tpu.memref_slice %arg4[%arg0, %mul3A_101] : memref<2x204800xf32, #tpu.memory_space<hbm>> -> memref<1x12800xf32, #tpu.memory_space<hbm>>
      %dma_wait3A_105 = tpu.memref_squeeze %dma_wait3A : memref<1x12800xf32, #tpu.memory_space<hbm>> -> memref<12800xf32, #tpu.memory_space<hbm>>
      %dma_wait3A_106 = tpu.memref_slice %arg11[%mul3A_99] : memref<204800xf32, #tpu.memory_space<vmem_shared>> -> memref<12800xf32, #tpu.memory_space<vmem_shared>>
      tpu.wait_dma2 semaphore(%run_scoped3A : memref<!tpu.dma_semaphore, #tpu.memory_space<semaphore_mem>>) src(%dma_wait3A_106 : memref<12800xf32, #tpu.memory_space<vmem_shared>>) dst(%dma_wait3A_105 : memref<12800xf32, #tpu.memory_space<hbm>>)
      tpu.yield
    }) : () -> ()
    return
  }
}

module attributes {stable_mosaic.version = 14 : i64} {
  func.func @_code_body(%arg0: memref<100000xi32, #tpu.memory_space<vmem>>, %arg1: memref<100000xi32, #tpu.memory_space<vmem>>, %arg2: memref<100000xi32, #tpu.memory_space<vmem>>) attributes {dimension_semantics = [], scalar_prefetch = 0 : i64, scratch_operands = 0 : i64, tpu.core_type = #tpu.core_type<tc>} {
    %get3A = arith.constant 0 : index
    %get3A_0 = vector.load %arg0[%get3A] : memref<100000xi32, #tpu.memory_space<vmem>>, vector<100000xi32>
    %get3A_1 = arith.constant dense<0> : vector<100000xi32>
    %get3A_2 = arith.cmpi ne, %get3A_0, %get3A_1 : vector<100000xi32>
    %get3A_3 = arith.constant 0 : index
    %get3A_4 = vector.load %arg1[%get3A_3] : memref<100000xi32, #tpu.memory_space<vmem>>, vector<100000xi32>
    %get3A_5 = arith.constant dense<0> : vector<100000xi32>
    %get3A_6 = arith.cmpi ne, %get3A_4, %get3A_5 : vector<100000xi32>
    %jit3A = arith.constant 1 : i32
    %jit3A_7 = arith.constant 204801 : i32
    %broadcast_in_dim3A = vector.broadcast %jit3A : i32 to vector<100000xi32>
    %broadcast_in_dim3A_8 = vector.broadcast %jit3A_7 : i32 to vector<100000xi32>
    %select_n3A = arith.select %get3A_6, %broadcast_in_dim3A, %broadcast_in_dim3A_8 : vector<100000xi1>, vector<100000xi32>
    %jit3A_9 = arith.constant 0 : i32
    %broadcast_in_dim3A_10 = vector.broadcast %jit3A_9 : i32 to vector<100000xi32>
    %select_n3A_11 = arith.select %get3A_2, %select_n3A, %broadcast_in_dim3A_10 : vector<100000xi1>, vector<100000xi32>
    %swap3A = arith.constant 0 : index
    %swap3A_12 = vector.load %arg2[%swap3A] : memref<100000xi32, #tpu.memory_space<vmem>>, vector<100000xi32>
    tpu.vector_store %arg2[%swap3A], %select_n3A_11 {strides = array<i32>} : memref<100000xi32, #tpu.memory_space<vmem>>, vector<100000xi32>,
    return
  }
}

module attributes {stable_mosaic.version = 14 : i64} {
  func.func @_adex_body(%arg0: memref<100000xf32, #tpu.memory_space<vmem>>, %arg1: memref<100000xf32, #tpu.memory_space<vmem>>, %arg2: memref<100000xf32, #tpu.memory_space<vmem>>, %arg3: memref<100000xf32, #tpu.memory_space<vmem>>, %arg4: memref<100000xf32, #tpu.memory_space<vmem>>, %arg5: memref<100000xf32, #tpu.memory_space<vmem>>, %arg6: memref<100000xf32, #tpu.memory_space<vmem>>, %arg7: memref<100000xf32, #tpu.memory_space<vmem>>, %arg8: memref<100000xf32, #tpu.memory_space<vmem>>, %arg9: memref<100000xf32, #tpu.memory_space<vmem>>, %arg10: memref<100000xf32, #tpu.memory_space<vmem>>, %arg11: memref<100000xf32, #tpu.memory_space<vmem>>, %arg12: memref<2x204800xf32, #tpu.memory_space<vmem>>, %arg13: memref<5x100000xf32, #tpu.memory_space<vmem>>, %arg14: memref<100000xi32, #tpu.memory_space<vmem>>) attributes {dimension_semantics = [], scalar_prefetch = 0 : i64, scratch_operands = 0 : i64, tpu.core_type = #tpu.core_type<tc>} {
    %get3A = arith.constant 0 : index
    %get3A_0 = vector.load %arg0[%get3A] : memref<100000xf32, #tpu.memory_space<vmem>>, vector<100000xf32>
    %get3A_1 = arith.constant 0 : index
    %get3A_2 = vector.load %arg2[%get3A_1] : memref<100000xf32, #tpu.memory_space<vmem>>, vector<100000xf32>
    %get3A_3 = arith.constant 0 : index
    %get3A_4 = arith.constant 0 : index
    %get3A_5 = vector.load %arg12[%get3A_3, %get3A_4] : memref<2x204800xf32, #tpu.memory_space<vmem>>, vector<1x100000xf32>
    %get3A_6 = vector.shape_cast %get3A_5 : vector<1x100000xf32> to vector<100000xf32>
    %get3A_7 = arith.constant 1 : index
    %get3A_8 = arith.constant 0 : index
    %get3A_9 = vector.load %arg12[%get3A_7, %get3A_8] : memref<2x204800xf32, #tpu.memory_space<vmem>>, vector<1x100000xf32>
    %get3A_10 = vector.shape_cast %get3A_9 : vector<1x100000xf32> to vector<100000xf32>
    %add3A = arith.addf %get3A_6, %get3A_10 : vector<100000xf32>
    %get3A_11 = arith.constant 0 : index
    %get3A_12 = arith.constant 102400 : index
    %get3A_13 = vector.load %arg12[%get3A_11, %get3A_12] : memref<2x204800xf32, #tpu.memory_space<vmem>>, vector<1x100000xf32>
    %get3A_14 = vector.shape_cast %get3A_13 : vector<1x100000xf32> to vector<100000xf32>
    %get3A_15 = arith.constant 1 : index
    %get3A_16 = arith.constant 102400 : index
    %get3A_17 = vector.load %arg12[%get3A_15, %get3A_16] : memref<2x204800xf32, #tpu.memory_space<vmem>>, vector<1x100000xf32>
    %get3A_18 = vector.shape_cast %get3A_17 : vector<1x100000xf32> to vector<100000xf32>
    %add3A_19 = arith.addf %get3A_14, %get3A_18 : vector<100000xf32>
    %get3A_20 = arith.constant 0 : index
    %get3A_21 = vector.load %arg3[%get3A_20] : memref<100000xf32, #tpu.memory_space<vmem>>, vector<100000xf32>
    %get3A_22 = arith.constant 0 : index
    %get3A_23 = vector.load %arg5[%get3A_22] : memref<100000xf32, #tpu.memory_space<vmem>>, vector<100000xf32>
    %mul3A = arith.mulf %get3A_23, %add3A : vector<100000xf32>
    %add3A_24 = arith.addf %get3A_21, %mul3A : vector<100000xf32>
    %get3A_25 = arith.constant 0 : index
    %get3A_26 = vector.load %arg4[%get3A_25] : memref<100000xf32, #tpu.memory_space<vmem>>, vector<100000xf32>
    %get3A_27 = arith.constant 0 : index
    %get3A_28 = vector.load %arg6[%get3A_27] : memref<100000xf32, #tpu.memory_space<vmem>>, vector<100000xf32>
    %mul3A_29 = arith.mulf %get3A_28, %add3A_19 : vector<100000xf32>
    %add3A_30 = arith.addf %get3A_26, %mul3A_29 : vector<100000xf32>
    %get3A_31 = arith.constant 0 : index
    %get3A_32 = vector.load %arg7[%get3A_31] : memref<100000xf32, #tpu.memory_space<vmem>>, vector<100000xf32>
    %get3A_33 = arith.constant 0 : index
    %get3A_34 = vector.load %arg1[%get3A_33] : memref<100000xf32, #tpu.memory_space<vmem>>, vector<100000xf32>
    %add3A_35 = arith.addf %get3A_32, %get3A_34 : vector<100000xf32>
    %sub3A = arith.constant 0.000000e+00 : f32
    %sub3A_36 = vector.broadcast %sub3A : f32 to vector<100000xf32>
    %sub3A_37 = arith.subf %sub3A_36, %get3A_0 : vector<100000xf32>
    %mul3A_38 = arith.mulf %add3A_24, %sub3A_37 : vector<100000xf32>
    %add3A_39 = arith.addf %add3A_35, %mul3A_38 : vector<100000xf32>
    %sub3A_40 = arith.constant -8.000000e+01 : f32
    %sub3A_41 = vector.broadcast %sub3A_40 : f32 to vector<100000xf32>
    %sub3A_42 = arith.subf %sub3A_41, %get3A_0 : vector<100000xf32>
    %mul3A_43 = arith.mulf %add3A_30, %sub3A_42 : vector<100000xf32>
    %add3A_44 = arith.addf %add3A_39, %mul3A_43 : vector<100000xf32>
    %sub3A_45 = arith.constant -5.000000e+01 : f32
    %sub3A_46 = vector.broadcast %sub3A_45 : f32 to vector<100000xf32>
    %sub3A_47 = arith.subf %get3A_0, %sub3A_46 : vector<100000xf32>
    %div3A = arith.constant 2.000000e+00 : f32
    %div3A_48 = vector.broadcast %div3A : f32 to vector<100000xf32>
    %div3A_49 = arith.divf %sub3A_47, %div3A_48 : vector<100000xf32>
    %min3A = arith.constant 2.000000e+01 : f32
    %min3A_50 = vector.broadcast %min3A : f32 to vector<100000xf32>
    %min3A_51 = arith.minimumf %div3A_49, %min3A_50 : vector<100000xf32>
    %exp3A = math.exp %min3A_51 : vector<100000xf32>
    %mul3A_52 = arith.constant 2.000000e+01 : f32
    %mul3A_53 = vector.broadcast %mul3A_52 : f32 to vector<100000xf32>
    %mul3A_54 = arith.mulf %mul3A_53, %exp3A : vector<100000xf32>
    %sub3A_55 = arith.constant -6.500000e+01 : f32
    %sub3A_56 = vector.broadcast %sub3A_55 : f32 to vector<100000xf32>
    %sub3A_57 = arith.subf %get3A_0, %sub3A_56 : vector<100000xf32>
    %mul3A_58 = arith.constant -1.000000e+01 : f32
    %mul3A_59 = vector.broadcast %mul3A_58 : f32 to vector<100000xf32>
    %mul3A_60 = arith.mulf %mul3A_59, %sub3A_57 : vector<100000xf32>
    %add3A_61 = arith.addf %mul3A_60, %mul3A_54 : vector<100000xf32>
    %sub3A_62 = arith.subf %add3A_61, %get3A_2 : vector<100000xf32>
    %add3A_63 = arith.addf %sub3A_62, %add3A_44 : vector<100000xf32>
    %div3A_64 = arith.constant 2.000000e+02 : f32
    %div3A_65 = vector.broadcast %div3A_64 : f32 to vector<100000xf32>
    %div3A_66 = arith.divf %add3A_63, %div3A_65 : vector<100000xf32>
    %neg3A = arith.constant 0.000000e+00 : f32
    %neg3A_67 = vector.broadcast %neg3A : f32 to vector<100000xf32>
    %neg3A_68 = arith.subf %neg3A_67, %get3A_2 : vector<100000xf32>
    %sub3A_69 = arith.constant -6.500000e+01 : f32
    %sub3A_70 = vector.broadcast %sub3A_69 : f32 to vector<100000xf32>
    %sub3A_71 = arith.subf %get3A_0, %sub3A_70 : vector<100000xf32>
    %mul3A_72 = arith.constant 2.000000e+00 : f32
    %mul3A_73 = vector.broadcast %mul3A_72 : f32 to vector<100000xf32>
    %mul3A_74 = arith.mulf %mul3A_73, %sub3A_71 : vector<100000xf32>
    %add3A_75 = arith.addf %neg3A_68, %mul3A_74 : vector<100000xf32>
    %div3A_76 = arith.constant 1.000000e+02 : f32
    %div3A_77 = vector.broadcast %div3A_76 : f32 to vector<100000xf32>
    %div3A_78 = arith.divf %add3A_75, %div3A_77 : vector<100000xf32>
    %get3A_79 = arith.constant 0 : index
    %get3A_80 = vector.load %arg11[%get3A_79] : memref<100000xf32, #tpu.memory_space<vmem>>, vector<100000xf32>
    %le3A = arith.constant 0.000000e+00 : f32
    %le3A_81 = vector.broadcast %le3A : f32 to vector<100000xf32>
    %le3A_82 = arith.cmpf ole, %get3A_80, %le3A_81 : vector<100000xf32>
    %mul3A_83 = arith.constant 1.000000e-01 : f32
    %mul3A_84 = vector.broadcast %mul3A_83 : f32 to vector<100000xf32>
    %mul3A_85 = arith.mulf %div3A_66, %mul3A_84 : vector<100000xf32>
    %add3A_86 = arith.addf %get3A_0, %mul3A_85 : vector<100000xf32>
    %select_n3A = arith.select %le3A_82, %add3A_86, %get3A_0 : vector<100000xi1>, vector<100000xf32>
    %mul3A_87 = arith.constant 1.000000e-01 : f32
    %mul3A_88 = vector.broadcast %mul3A_87 : f32 to vector<100000xf32>
    %mul3A_89 = arith.mulf %div3A_78, %mul3A_88 : vector<100000xf32>
    %add3A_90 = arith.addf %get3A_2, %mul3A_89 : vector<100000xf32>
    %neg3A_91 = arith.constant 0.000000e+00 : f32
    %neg3A_92 = vector.broadcast %neg3A_91 : f32 to vector<100000xf32>
    %neg3A_93 = arith.subf %neg3A_92, %add3A_24 : vector<100000xf32>
    %div3A_94 = arith.constant 5.000000e+00 : f32
    %div3A_95 = vector.broadcast %div3A_94 : f32 to vector<100000xf32>
    %div3A_96 = arith.divf %neg3A_93, %div3A_95 : vector<100000xf32>
    %mul3A_97 = arith.constant 1.000000e-01 : f32
    %mul3A_98 = vector.broadcast %mul3A_97 : f32 to vector<100000xf32>
    %mul3A_99 = arith.mulf %div3A_96, %mul3A_98 : vector<100000xf32>
    %add3A_100 = arith.addf %add3A_24, %mul3A_99 : vector<100000xf32>
    %neg3A_101 = arith.constant 0.000000e+00 : f32
    %neg3A_102 = vector.broadcast %neg3A_101 : f32 to vector<100000xf32>
    %neg3A_103 = arith.subf %neg3A_102, %add3A_30 : vector<100000xf32>
    %div3A_104 = arith.constant 1.000000e+01 : f32
    %div3A_105 = vector.broadcast %div3A_104 : f32 to vector<100000xf32>
    %div3A_106 = arith.divf %neg3A_103, %div3A_105 : vector<100000xf32>
    %mul3A_107 = arith.constant 1.000000e-01 : f32
    %mul3A_108 = vector.broadcast %mul3A_107 : f32 to vector<100000xf32>
    %mul3A_109 = arith.mulf %div3A_106, %mul3A_108 : vector<100000xf32>
    %add3A_110 = arith.addf %add3A_30, %mul3A_109 : vector<100000xf32>
    %gt3A = arith.constant -3.000000e+01 : f32
    %gt3A_111 = vector.broadcast %gt3A : f32 to vector<100000xf32>
    %gt3A_112 = arith.cmpf ogt, %select_n3A, %gt3A_111 : vector<100000xf32>
    %get3A_113 = arith.constant 0 : index
    %get3A_114 = vector.load %arg8[%get3A_113] : memref<100000xf32, #tpu.memory_space<vmem>>, vector<100000xf32>
    %select_n3A_115 = arith.select %gt3A_112, %get3A_114, %select_n3A : vector<100000xi1>, vector<100000xf32>
    %get3A_116 = arith.constant 0 : index
    %get3A_117 = vector.load %arg9[%get3A_116] : memref<100000xf32, #tpu.memory_space<vmem>>, vector<100000xf32>
    %add3A_118 = arith.addf %add3A_90, %get3A_117 : vector<100000xf32>
    %select_n3A_119 = arith.select %gt3A_112, %add3A_118, %add3A_90 : vector<100000xi1>, vector<100000xf32>
    %get3A_120 = arith.constant 0 : index
    %get3A_121 = vector.load %arg10[%get3A_120] : memref<100000xf32, #tpu.memory_space<vmem>>, vector<100000xf32>
    %get3A_122 = arith.constant 0 : index
    %get3A_123 = vector.load %arg11[%get3A_122] : memref<100000xf32, #tpu.memory_space<vmem>>, vector<100000xf32>
    %select_n3A_124 = arith.select %gt3A_112, %get3A_121, %get3A_123 : vector<100000xi1>, vector<100000xf32>
    %sub3A_125 = arith.constant 1.000000e-01 : f32
    %sub3A_126 = vector.broadcast %sub3A_125 : f32 to vector<100000xf32>
    %sub3A_127 = arith.subf %select_n3A_124, %sub3A_126 : vector<100000xf32>
    %swap3A = arith.constant 0 : index
    %swap3A_128 = arith.constant 0 : index
    %swap3A_129 = vector.load %arg13[%swap3A, %swap3A_128] : memref<5x100000xf32, #tpu.memory_space<vmem>>, vector<1x100000xf32>
    %swap3A_130 = vector.shape_cast %swap3A_129 : vector<1x100000xf32> to vector<100000xf32>
    %swap3A_131 = vector.shape_cast %select_n3A_115 : vector<100000xf32> to vector<1x100000xf32>
    tpu.vector_store %arg13[%swap3A, %swap3A_128], %swap3A_131 {strides = array<i32>} : memref<5x100000xf32, #tpu.memory_space<vmem>>, vector<1x100000xf32>,
    %swap3A_132 = arith.constant 1 : index
    %swap3A_133 = arith.constant 0 : index
    %swap3A_134 = vector.load %arg13[%swap3A_132, %swap3A_133] : memref<5x100000xf32, #tpu.memory_space<vmem>>, vector<1x100000xf32>
    %swap3A_135 = vector.shape_cast %swap3A_134 : vector<1x100000xf32> to vector<100000xf32>
    %swap3A_136 = vector.shape_cast %select_n3A_119 : vector<100000xf32> to vector<1x100000xf32>
    tpu.vector_store %arg13[%swap3A_132, %swap3A_133], %swap3A_136 {strides = array<i32>} : memref<5x100000xf32, #tpu.memory_space<vmem>>, vector<1x100000xf32>,
    %swap3A_137 = arith.constant 2 : index
    %swap3A_138 = arith.constant 0 : index
    %swap3A_139 = vector.load %arg13[%swap3A_137, %swap3A_138] : memref<5x100000xf32, #tpu.memory_space<vmem>>, vector<1x100000xf32>
    %swap3A_140 = vector.shape_cast %swap3A_139 : vector<1x100000xf32> to vector<100000xf32>
    %swap3A_141 = vector.shape_cast %add3A_100 : vector<100000xf32> to vector<1x100000xf32>
    tpu.vector_store %arg13[%swap3A_137, %swap3A_138], %swap3A_141 {strides = array<i32>} : memref<5x100000xf32, #tpu.memory_space<vmem>>, vector<1x100000xf32>,
    %swap3A_142 = arith.constant 3 : index
    %swap3A_143 = arith.constant 0 : index
    %swap3A_144 = vector.load %arg13[%swap3A_142, %swap3A_143] : memref<5x100000xf32, #tpu.memory_space<vmem>>, vector<1x100000xf32>
    %swap3A_145 = vector.shape_cast %swap3A_144 : vector<1x100000xf32> to vector<100000xf32>
    %swap3A_146 = vector.shape_cast %add3A_110 : vector<100000xf32> to vector<1x100000xf32>
    tpu.vector_store %arg13[%swap3A_142, %swap3A_143], %swap3A_146 {strides = array<i32>} : memref<5x100000xf32, #tpu.memory_space<vmem>>, vector<1x100000xf32>,
    %swap3A_147 = arith.constant 4 : index
    %swap3A_148 = arith.constant 0 : index
    %swap3A_149 = vector.load %arg13[%swap3A_147, %swap3A_148] : memref<5x100000xf32, #tpu.memory_space<vmem>>, vector<1x100000xf32>
    %swap3A_150 = vector.shape_cast %swap3A_149 : vector<1x100000xf32> to vector<100000xf32>
    %swap3A_151 = vector.shape_cast %sub3A_127 : vector<100000xf32> to vector<1x100000xf32>
    tpu.vector_store %arg13[%swap3A_147, %swap3A_148], %swap3A_151 {strides = array<i32>} : memref<5x100000xf32, #tpu.memory_space<vmem>>, vector<1x100000xf32>,
    %swap3A_152 = arith.constant 0 : index
    %swap3A_153 = vector.load %arg14[%swap3A_152] : memref<100000xi32, #tpu.memory_space<vmem>>, vector<100000xi32>
    %swap3A_154 = arith.extui %gt3A_112 : vector<100000xi1> to vector<100000xi32>
    %swap3A_155 = arith.constant dense<0> : vector<100000xi32>
    %swap3A_156 = arith.cmpi ne, %swap3A_153, %swap3A_155 : vector<100000xi32>
    tpu.vector_store %arg14[%swap3A_152], %swap3A_154 {strides = array<i32>} : memref<100000xi32, #tpu.memory_space<vmem>>, vector<100000xi32>,
    return
  }
}

</mosaic_0001>

<sc_bundles>
// kernel: kernel.5.cloned.1.call-start
scs
__scs_entry_jumppad:
0x0: {  	(pc) =	sbr.rel $0x88, $3  }
0x1: {  	(tag) =	ssettag $0x0;
	lr =	simm.s32 $0x1  }
0x2: {  	[smem:$0x3F92] =	sst lr;
	_ =	strace $0xD0000000  }
0x3: {  	_ = 	snop  }
0x4: {  	_ = 	snop  }
0x5: {  	_ = 	snop  }
0x6: {  	_ = 	snop  }
0x7: {  	_ = 	snop  }
__scs_overlays_trampoline_lowered:
0x8: {  	[smem:$0x3FA1] =	sst s0  }
0x9: {  	[smem:$0x3FA2] =	sst s1  }
0xa: {  	[smem:$0x3FA3] =	sst s2  }
0xb: {  	[smem:$0x3FA4] =	sst s3  }
0xc: {  	[smem:$0x3FA5] =	sst s4  }
0xd: {  	[smem:$0x3FA6] =	sst s5  }
0xe: {  	[smem:$0x3FA7] =	sst s6  }
0xf: {  	[smem:$0x3FA8] =	sst s7  }
0x10: {  	[smem:$0x3FA9] =	sst s8  }
0x11: {  	[smem:$0x3FAA] =	sst s9;
	s0 =	simm.s32 @!p0 $0x0  }
0x12: {  	s1 =	sld [smem:$0x3F90];
	s0 =	simm.s32 @p0 $0x1  }
0x13: {  	[smem:$0x3FAB] =	sst s0;
	s0 =	simm.s32 @!p1 $0x0  }
0x14: {  	s2 =	sld [smem:$0x3F8F];
	s0 =	simm.s32 @p1 $0x1  }
0x15: {  	[smem:$0x3FAC] =	sst s0;
	s0 =	simm.s32 @!p2 $0x0  }
0x16: {  	s3 =	sld [smem:$0x3FDB];
	s0 =	simm.s32 @p2 $0x1  }
0x17: {  	s4 =	simm.s32 $0x1BF5;
	[smem:$0x3FAE] =	sst s0  }
0x18: {  	s0 =	sld [smem:$0x3F91];
	_ =	swait.ge [sflag:s4], $0x0  }
0x19: {  	s7 =	sld [smem:$0x3F92]  }
0x1a: {  	s8 =	sadd.s32 $0xFFFFE003, lr  }
0x1b: {  	s9 =	sadd.s32 $0xFFFFFEF7, lr;
	s5 =	simm.s32 $0xFFFFFFFF;
	p2 =	slt.u32 s8, $0xFFFFF086  }
0x1c: {  	p1 =	slt.u32 s9, $0xF7A;
	s5 =	simm.s32 @!p2 $0x0  }
0x1d: {  	s5 =	simm.s32 @p1 $0x1;
	p0 =	seq.s32 s7, s2  }
0x1e: {  	s7 =	smul.u32 @!p0 $0xF7A, s2;
	p2 =	seq.s32 @!p0 s5, $0x0  }
0x1f: {  	s9 =	smul.u32 $0xF7A, s1;
	s8 =	simm.s32 @!p0 $0x1BF5;
	p2 =	por !p2, p0  }
0x20: {  	[sflag:s8] =	ssyncset.s32 @!p0 $0xFFFFF086;
	s6 =	sadd.s32 @!p0 s3, s7;
	s7 =	simm.s32 @!p0 $0x108  }
0x21: {  	s3 =	sadd.s32 s3, s9;
	s6 =	sadd.s32 @!p0 $0x88, s6;
	s7 =	simm.s32 @p2 $0x1082  }
0x22: {  	[simem:s7], [sflag:s8] =	dma.local @!p0 [hbm:s6], $0xF7A  }
0x23: {  	s9 =	sor.u32 $0xD0000000, s2;
	s6 =	simm.s32 $0x108;
	_ =	swait.ge @!p0 [sflag:s8], $0x0  }
0x24: {  	s3 =	sadd.s32 $0x88, s3;
	s6 =	simm.s32 @!p1 $0x1082;
	[sflag:s4] =	ssyncset.s32 $0xFFFFF086  }
0x25: {  	[simem:s6], [sflag:s4] =	dma.local [hbm:s3], $0xF7A  }
0x26: {  	[smem:$0x3F92] =	sst s1;
	(tag) =	ssettag s2;
	_ =	strace s9  }
0x27: {  	s1 =	sld [smem:$0x3FA2]  }
0x28: {  	s2 =	sld [smem:$0x3FA3]  }
0x29: {  	s4 =	sld [smem:$0x3FA5]  }
0x2a: {  	p0 =	seq.s32 s5, $0x0;
	s5 =	sld [smem:$0x3FA6]  }
0x2b: {  	s6 =	sld [smem:$0x3FA7]  }
0x2c: {  	s7 =	sld [smem:$0x3FA8]  }
0x2d: {  	s3 =	simm.s32 $0x108;
	s8 =	sld [smem:$0x3FA9]  }
0x2e: {  	s3 =	simm.s32 @!p0 $0x1082;
	s9 =	sld [smem:$0x3FAA]  }
0x2f: {  	lr =	sadd.s32 s0, s3;
	s0 =	sld [smem:$0x3FA1]  }
0x30: {  	s3 =	sld [smem:$0x3FA4]  }
0x31: {  	[smem:$0x3FAD] =	sst s10  }
0x32: {  	s10 =	sld [smem:$0x3FAB];
	_ =	sdelay $0x3  }
0x33: {  	p0 =	seq.s32 s10, $0x1;
	s10 =	sld [smem:$0x3FAD];
	_ =	sdelay $0x3  }
0x34: {  	[smem:$0x3FAD] =	sst s10  }
0x35: {  	s10 =	sld [smem:$0x3FAC];
	_ =	sdelay $0x3  }
0x36: {  	p1 =	seq.s32 s10, $0x1;
	s10 =	sld [smem:$0x3FAD];
	_ =	sdelay $0x3  }
0x37: {  	[smem:$0x3FAD] =	sst s10  }
0x38: {  	s10 =	sld [smem:$0x3FAE]  }
0x39: {  	_ = 	snop;
	(pc) =	sbr.ind lr, $3  }
0x3a: {  	_ = 	snop  }
0x3b: {  	_ = 	snop  }
0x3c: {  	p2 =	seq.s32 s10, $0x1;
	s10 =	sld [smem:$0x3FAD]  }
0x3d: {  	_ =	shalt  }
0x3e: {  	_ =	shalt  }
0x3f: {  	_ =	shalt  }
0x40: {  	_ =	shalt  }
0x41: {  	_ =	shalt  }
0x42: {  	_ =	shalt  }
0x43: {  	_ =	shalt  }
0x44: {  	_ =	shalt  }
0x45: {  	_ =	shalt  }
0x46: {  	_ =	shalt  }
0x47: {  	_ =	shalt  }
0x48: {  	_ =	shalt  }
0x49: {  	_ =	shalt  }
0x4a: {  	_ =	shalt  }
0x4b: {  	_ =	shalt  }
0x4c: {  	_ =	shalt  }
0x4d: {  	_ =	shalt  }
0x4e: {  	_ =	shalt  }
0x4f: {  	_ =	shalt  }
0x50: {  	_ =	shalt  }
0x51: {  	_ =	shalt  }
0x52: {  	_ =	shalt  }
0x53: {  	_ =	shalt  }
0x54: {  	_ =	shalt  }
0x55: {  	_ =	shalt  }
0x56: {  	_ =	shalt  }
0x57: {  	_ =	shalt  }
0x58: {  	_ =	shalt  }
0x59: {  	_ =	shalt  }
0x5a: {  	_ =	shalt  }
0x5b: {  	_ =	shalt  }
0x5c: {  	_ =	shalt  }
0x5d: {  	_ =	shalt  }
0x5e: {  	_ =	shalt  }
0x5f: {  	_ =	shalt  }
0x60: {  	_ =	shalt  }
0x61: {  	_ =	shalt  }
0x62: {  	_ =	shalt  }
0x63: {  	_ =	shalt  }
0x64: {  	_ =	shalt  }
0x65: {  	_ =	shalt  }
0x66: {  	_ =	shalt  }
0x67: {  	_ =	shalt  }
0x68: {  	_ =	shalt  }
0x69: {  	_ =	shalt  }
0x6a: {  	_ =	shalt  }
0x6b: {  	_ =	shalt  }
0x6c: {  	_ =	shalt  }
0x6d: {  	_ =	shalt  }
0x6e: {  	_ =	shalt  }
0x6f: {  	_ =	shalt  }
0x70: {  	_ =	shalt  }
0x71: {  	_ =	shalt  }
0x72: {  	_ =	shalt  }
0x73: {  	_ =	shalt  }
0x74: {  	_ =	shalt  }
0x75: {  	_ =	shalt  }
0x76: {  	_ =	shalt  }
0x77: {  	_ =	shalt  }
0x78: {  	_ =	shalt  }
0x79: {  	_ =	shalt  }
0x7a: {  	_ =	shalt  }
0x7b: {  	_ =	shalt  }
0x7c: {  	_ =	shalt  }
0x7d: {  	_ =	shalt  }
0x7e: {  	_ =	shalt  }
0x7f: {  	_ =	shalt  }
0x80: {  	_ =	shalt  }
0x81: {  	_ =	shalt  }
0x82: {  	_ =	shalt  }
0x83: {  	_ =	shalt  }
0x84: {  	_ =	shalt  }
0x85: {  	_ =	shalt  }
0x86: {  	_ =	shalt  }
0x87: {  	_ =	shalt  }
.Lfunc_end0:
.L_simem_size_0:
called_computation_lowered:
.L_overlay_start_0:
0x88: {  	s2 =	sld [smem:$0x3FD9]  }
0x89: {  	s3 =	sld [smem:$0x3FFE];
	_ =	sdelay $0x1  }
0x8a: {  	s1 =	srdreg.scid  }
0x8b: {  	s0 =	sand.u32 $0x1, s1  }
0x8c: {  	s14 =	sshll.u32 s0, $0xA;
	s2 =	sadd.s32 s3, s2  }
0x8d: {  	s2 =	sadd.s32 s2, s14  }
0x8e: {  	[smem:$0x3FB9] =	sst s2  }
0x8f: {  	_ = 	snop  }
0x90: {  	s2 =	sld [smem:$0x3FD0];
	_ =	sdelay $0x2  }
0x91: {  	s4 =	simm.s32 $0xA;
	s5 =	simm.s32 $0x10;
	s15 =	sld [smem:$0x3FBC]  }
0x92: {  	[smem:s5], [sflag:s4] =	dma.local [hbm:s2], $0x1  }
0x93: {  	_ =	swait.eq [sflag:s4], $0x1  }
0x94: {  	[sflag:s4] =	ssyncset.done $0x0  }
0x95: {  	[sflag:s4] =	ssyncadd.s32 $0xFFFFFFFF  }
0x96: {  	s16 =	sld [smem:$0x10];
	(tm) =	ssettm $0x1  }
0x97: {  	s17 =	sld [smem:$0x3FFB];
	_ =	sdelay $0x3  }
0x98: {  	_ =	strace s17  }
0x99: {  	s4 =	sld [smem:$0x3FFC];
	_ =	sdelay $0x3  }
0x9a: {  	_ =	strace s4  }
0x9b: {  	s4 =	sld [smem:$0x3FFD];
	_ =	sdelay $0x3  }
0x9c: {  	_ =	strace s4  }
0x9d: {  	_ =	strace $0x8FFFFFFF  }
0x9e: {  	s18 =	sld [smem:$0x3FDB];
	_ =	sdelay $0x1  }
0x9f: {  	s19 =	simm.s32 $_scs_section_size  }
0xa0: {  	s6 =	simm.s32 $_size__tile_overlayer_lowered;
	s7 =	simm.s32 $_tile_overlayer_lowered  }
0xa1: {  	s22 =	simm.s32 $0x1BFF;
	s21 =	sshll.u32 s7, $0x1;
	s4 =	sadd.s32 s19, s18  }
0xa2: {  	s8 =	simm.s32 $0x0;
	s20 =	sshll.u32 s6, $0x1;
	s6 =	sadd.s32 s21, s4  }
0xa3: {  	[timem:s8], [sflag:s22] =	dma.local [hbm:s6], s20  }
0xa4: {  	_ =	swait.ge [sflag:s22], s20  }
0xa5: {  	s5 =	ssub.s32 $0x0, s20;
	[sflag:s22] =	ssyncset.done $0x0  }
0xa6: {  	[sflag:s22] =	ssyncadd.s32 s5;
	_ =	sdelay $0x1  }
0xa7: {  	s23 =	simm.s32 $0x1B8B  }
0xa8: {  	_ =	swait.ge [sflag:s23], $0x1  }
0xa9: {  	[sflag:s23] =	ssyncset.done $0x0  }
0xaa: {  	s25 =	simm.s32 $0x1B8E;
	s24 =	sld [smem:$0x3FFE];
	[sflag:s23] =	ssyncadd.s32 $0xFFFFFFFF  }
0xab: {  	s26 =	simm.s32 $execute0_lowered;
	[smem:$0x3FD2] =	sst s25  }
0xac: {  	s6 =	sshll.u32 s26, $0x1;
	_ =	strace $0x80000046;
	[dreg:$0x1] =	wrdreg $0xFFFFFFFF  }
0xad: {  	s28 =	simm.s32 $_size_execute0_lowered;
	s4 =	sadd.s32 s4, s6;
	[dreg:$0x0] =	wrdreg $0x0  }
0xae: {  	s6 =	sshll.u32 s28, $0x1;
	[dreg:$0x2] =	wrdreg s4  }
0xaf: {  	[dreg:$0x3] =	wrdreg s6  }
0xb0: {  	[dreg:$0x4] =	wrdreg $0xC0  }
0xb1: {  	_ =	task [dreg:s8], $0x5FFFF  }
0xb2: {  	[dreg:$0x1] =	wrdreg $0xFFFFFFFF  }
0xb3: {  	[dreg:$0x0] =	wrdreg $0x60  }
0xb4: {  	[dreg:$0x2] =	wrdreg s24  }
0xb5: {  	[dreg:$0x3] =	wrdreg s15  }
0xb6: {  	[dreg:$0x4] =	wrdreg s16  }
0xb7: {  	[dreg:$0x5] =	wrdreg $0x1C5800  }
0xb8: {  	[dreg:$0x6] =	wrdreg $0x9  }
0xb9: {  	_ =	task.clear_ibuf [dreg:s8], $0x7FFFF;
	_ =	strace $0x90000046  }
0xba: {  	s29 =	simm.s32 $0x9;
	_ =	strace $0x80000048  }
0xbb: {  	_ =	swait.ge [sflag:s29], $0x1  }
0xbc: {  	[sflag:s29] =	ssyncadd.s32 $0xFFFFFFFF  }
0xbd: {  	_ =	strace $0x90000048  }
0xbe: {  	_ =	sfence  }
0xbf: {  	s30 =	sld [smem:$0x0];
	_ =	sdelay $0x2  }
0xc0: {  	s31 =	sshll.u32 s1, $0xD;
	s1 =	sshrl.u32 s1, $0x2  }
0xc1: {  	s3 =	sand.u32 $0x4000, s31;
	s1 =	sadd.s32 s1, s30  }
0xc2: {  	s0 =	sor.u32 s3, s0;
	s1 =	sshll.u32 s1, $0x11  }
0xc3: {  	s0 =	sor.u32 s1, s0  }
0xc4: {  	s0 =	sadd.s32 $0x8F2B, s0  }
0xc5: {  	[sflag:s0] =	ssyncadd.remote.s32 $0x1  }
0xc6: {  	_ =	sfence.sel $0xFFFF  }
0xc7: {  	[dreg:$0x0] =	wrdreg $0xFFFFFFFF;
	(pc) =	sbr.abs _section_cstart, $3  }
0xc8: {  	[dreg:$0x1] =	wrdreg $0xFFFFFFFF  }
0xc9: {  	_ =	task.clear_ibuf [dreg:s8], $0x2FFFF;
	_ =	strace $0x9FFFFFFF  }
0xca: {  	(tm) =	ssettm $0x7FFFFFFF  }
0xcb: {  	_ =	shalt  }
tec
execute0_lowered:
.L_overlay_start_1:
0x0: {  	(tag) =	ssettag $0x1  }
0x1: {  	s0 =	rddreg [dreg:$0x0]  }
0x2: {  	s1 =	rddreg [dreg:$0x1]  }
0x3: {  	s4 =	rddreg [dreg:$0x2]  }
0x4: {  	s2 =	rddreg [dreg:$0x3]  }
0x5: {  	s3 =	simm.s32 $0x0;
	s5 =	srdreg.scid;
	s11 =	stileid.u32  }
0x6: {  	s19 =	simm.s32 $0x1BF00;
	s20 =	simm.s32 $0x4;
	s23 =	simm.s32 $0x3  }
0x7: {  	s24 =	simm.s32 $0x1;
	s28 =	simm.s32 $0x1B700;
	s29 =	simm.s32 $0x2  }
0x8: {  	s30 =	simm.s32 $0x1AF00;
	s21 =	simm.s32 $0x0;
	[smem:$0x7FF] =	sst s3  }
0x9: {  	s12 =	sand.u32 $0x1, s5;
	s25 =	smul.u32 $0xC800, s11;
	s0 =	sadd.s32 $0x2200, s0  }
0xa: {  	s31 =	sshll.u32 s11, $0x1;
	s14 =	smul.u32 $0x6400, s11;
	_ =	strace $0x80000047  }
0xb: {  	s6 =	ssub.s32 $0x2, s12;
	[dreg:$0x5] =	wrdreg s0;
	s15 =	sshll.u32 s12, $0x7  }
0xc: {  	s26 =	sshrl.u32 s6, $0x1;
	s5 =	sshrl.u32 s25, $0x2;
	s16 =	sor.u32 s15, s14  }
0xd: {  	s25 =	simm.s32 $0x800;
	s0 =	ssub.s32 s6, s26;
	s5 =	sadd.s32 s5, s2  }
0xe: {  	s6 =	sor.u32 s12, s31;
	s17 =	sshrl.u32 s16, $0x3;
	s16 =	sadd.s32 $0x8000, s1  }
.Ltmp0:
0xf: {  	s26 =	simm.s32 $0x1A700;
	s7 =	sadd.s32 $0x640, s5;
	(pc) =	sbr.rel .LBB2_1-.Ltmp0, $4  }
0x10: {  	s8 =	sadd.s32 $0xC80, s5;
	s9 =	sadd.s32 $0x12C0, s5;
	s10 =	sadd.s32 $0x1900, s5  }
0x11: {  	s11 =	sadd.s32 $0x1F40, s5;
	s13 =	sshll.u32 s6, $0x9;
	s12 =	sadd.s32 $0x2580, s5  }
0x12: {  	s14 =	sadd.s32 $0x2BC0, s5;
	s17 =	sadd.s32 s4, s17;
	s13 =	sadd.s32 s1, s13  }
0x13: {  	v0 =	vimm.f32 $1.000000000e+00;
	v1 =	vimm.f32 $0.0e+00;
	s18 =	smax.u32 s0, $0x1;
	p0 =	sgt.u32 s6, $0x14;
	s15 =	sadd.s32 $0x4000, s13  }
.LBB2_13:
0x14: {  	_ =	swait.ge [sflag:s23], $0x800  }
0x15: {  	[sflag:s23] =	ssyncset.done $0x0  }
0x16: {  	s0 =	simm.s32 @!p0 $0x3;
	s31 =	stileid.u32;
	[sflag:s23] =	ssyncadd.s32 $0xFFFFF800  }
0x17: {  	s1 =	sshrl.u32 s5, $0x3;
	s4 =	simm.s32 $0x20;
	_ =	swait.ge @!p0 [sflag:s0], $0x800  }
0x18: {  	s22 =	simm.s32 $0x10;
	s21 =	sadd.s32 $0x1, s21;
	[sflag:s0] =	ssyncset.done @!p0 $0x0  }
0x19: {  	p1 =	sne.s32 s21, s18;
	[sflag:s0] =	ssyncadd.s32 @!p0 $0xFFFFF800;
	s0 =	sshll.u32 s31, $0x6  }
.Ltmp1:
0x1a: {  	[bflag:$0x0] =	sbarrier.arrive $0xFFFF;
	s0 =	sor.u32 $0x1C04, s0;
	(pc) =	sbr.rel @!p1 .LBB2_14-.Ltmp1, $4  }
0x1b: {  	[hbm:s17@s4], [sflag:s0] =	dma.strided [spmem:s1@s22], $0x640, s24, $0x10   }
0x1c: {  	_ =	swait.ge [sflag:s20], $0x640  }
0x1d: {  	[sflag:s20] =	ssyncset.done $0x0  }
0x1e: {  	[sflag:s20] =	ssyncadd.s32 $0xFFFFF9C0  }
.LBB2_1:
0x1f: {  	s0 =	simm.s32 $0x0  }
.LBB2_2:
0x20: {  	p1 =	sne.s32 s0, $0x1FC0  }
.Ltmp2:
0x21: {  	_ = 	snop;
	(pc) =	sbr.rel @p1 .LBB2_2-.Ltmp2, $3  }
0x22: {  	_ =	sdelay $0x1  }
0x23: {  	s1 =	sshra.s32 s0, $0x2  }
0x24: {  	s0 =	sadd.s32 $0x40, s0;
	[tilespmem:s1+$0x1B700] =	vst v0  }
0x25: {  	s0 =	simm.s32 $0x40;
	s1 =	simm.s32 $0x0  }
.LBB2_4:
0x26: {  	p1 =	sne.s32 s0, $0x18C0;
	[tilespmem:s1+$0x1BF00] =	vst v1;
	s1 =	smov.u32 s0;
	s0 =	sadd.s32 $0x40, s0  }
.Ltmp3:
0x27: {  	(pc) =	sbr.rel @p1 .LBB2_4-.Ltmp3, $2  }
0x28: {  	_ =	sdelay $0x2  }
0x29: {  	s1 =	sshra.s32 s1, $0x2  }
0x2a: {  	[tilespmem:s1+$0x1BF00] =	vst v1  }
0x2b: {  	[spmem:s5] =	stream.linear.scatter [tilespmem:s19], [sflag:$0x4], $0x640, $0x38;
	[tilespmem:$0x1F780] =	vst v63  }
0x2c: {  	_ =	swait.ge [sflag:s20], $0x640  }
0x2d: {  	[sflag:s20] =	ssyncset.done $0x0  }
0x2e: {  	[sflag:s20] =	ssyncadd.s32 $0xFFFFF9C0  }
0x2f: {  	[spmem:s7] =	stream.linear.scatter [tilespmem:s19], [sflag:$0x4], $0x640, $0x38;
	[tilespmem:$0x1F780] =	vst v63  }
0x30: {  	_ =	swait.ge [sflag:s20], $0x640  }
0x31: {  	[sflag:s20] =	ssyncset.done $0x0  }
0x32: {  	[sflag:s20] =	ssyncadd.s32 $0xFFFFF9C0  }
0x33: {  	[spmem:s8] =	stream.linear.scatter [tilespmem:s19], [sflag:$0x4], $0x640, $0x38;
	[tilespmem:$0x1F780] =	vst v63  }
0x34: {  	_ =	swait.ge [sflag:s20], $0x640  }
0x35: {  	[sflag:s20] =	ssyncset.done $0x0  }
0x36: {  	[sflag:s20] =	ssyncadd.s32 $0xFFFFF9C0  }
0x37: {  	[spmem:s9] =	stream.linear.scatter [tilespmem:s19], [sflag:$0x4], $0x640, $0x38;
	[tilespmem:$0x1F780] =	vst v63  }
0x38: {  	_ =	swait.ge [sflag:s20], $0x640  }
0x39: {  	[sflag:s20] =	ssyncset.done $0x0  }
0x3a: {  	[sflag:s20] =	ssyncadd.s32 $0xFFFFF9C0  }
0x3b: {  	[spmem:s10] =	stream.linear.scatter [tilespmem:s19], [sflag:$0x4], $0x640, $0x38;
	[tilespmem:$0x1F780] =	vst v63  }
0x3c: {  	_ =	swait.ge [sflag:s20], $0x640  }
0x3d: {  	[sflag:s20] =	ssyncset.done $0x0  }
0x3e: {  	[sflag:s20] =	ssyncadd.s32 $0xFFFFF9C0  }
0x3f: {  	[spmem:s11] =	stream.linear.scatter [tilespmem:s19], [sflag:$0x4], $0x640, $0x38;
	[tilespmem:$0x1F780] =	vst v63  }
0x40: {  	_ =	swait.ge [sflag:s20], $0x640  }
0x41: {  	[sflag:s20] =	ssyncset.done $0x0  }
0x42: {  	[sflag:s20] =	ssyncadd.s32 $0xFFFFF9C0  }
0x43: {  	[spmem:s12] =	stream.linear.scatter [tilespmem:s19], [sflag:$0x4], $0x640, $0x38;
	[tilespmem:$0x1F780] =	vst v63  }
0x44: {  	_ =	swait.ge [sflag:s20], $0x640  }
0x45: {  	[sflag:s20] =	ssyncset.done $0x0  }
0x46: {  	[sflag:s20] =	ssyncadd.s32 $0xFFFFF9C0  }
0x47: {  	[spmem:s14] =	stream.linear.scatter [tilespmem:s19], [sflag:$0x4], $0x640, $0x38;
	[tilespmem:$0x1F780] =	vst v63  }
0x48: {  	_ =	swait.ge [sflag:s20], $0x640  }
0x49: {  	[sflag:s20] =	ssyncset.done $0x0  }
0x4a: {  	s22 =	simm.s32 $0x0;
	s0 =	rddreg [dreg:$0x5];
	[sflag:s20] =	ssyncadd.s32 $0xFFFFF9C0  }
0x4b: {  	[tilespmem:s22], [sflag:$0x3] =	stream.linear.gather [hbm4b:s0+s22], $0x18700, $0x38;
	[tilespmem:$0x1F780] =	vst v63  }
0x4c: {  	s4 =	simm.s32 $0x18700  }
0x4d: {  	[tilespmem:s4], [sflag:$0x1] =	stream.linear.gather [hbm4b:s13+s22], $0x1000, $0x38;
	[tilespmem:$0x1F780] =	vst v63  }
0x4e: {  	s31 =	simm.s32 $0x19700  }
0x4f: {  	[tilespmem:s31], [sflag:$0x2] =	stream.linear.gather [hbm4b:s15+s22], $0x1000, $0x38;
	[tilespmem:$0x1F780] =	vst v63  }
.Ltmp4:
0x50: {  	_ =	swait.ge [sflag:s23], $0x18700;
	(pc) =	sbr.rel .LBB2_6-.Ltmp4, $3  }
0x51: {  	[sflag:s23] =	ssyncset.done $0x0  }
0x52: {  	[sflag:s23] =	ssyncadd.s32 $0xFFFE7900  }
0x53: {  	[bflag:$0x0] =	sbarrier.arrive $0xFFFF;
	_ =	sdelay $0x1  }
.LBB2_12:
0x54: {  	s22 =	sadd.s32 $0x1, s22  }
0x55: {  	p1 =	sne.s32 s22, $0x31  }
.Ltmp5:
0x56: {  	_ = 	snop;
	(pc) =	sbr.rel @!p1 .LBB2_13-.Ltmp5, $1  }
0x57: {  	_ =	sdelay $0x3  }
.LBB2_6:
0x58: {  	_ =	swait.ge [sflag:s24], $0x1000  }
0x59: {  	p1 =	seq.s32 s22, $0x0;
	[sflag:s24] =	ssyncset.done $0x0  }
0x5a: {  	s0 =	simm.s32 @!p1 $0x3;
	[sflag:s24] =	ssyncadd.s32 $0xFFFFF000  }
0x5b: {  	_ =	swait.ge @!p1 [sflag:s0], $0x800  }
0x5c: {  	[sflag:s0] =	ssyncset.done @!p1 $0x0  }
0x5d: {  	s4 =	simm.s32 $0x18780;
	[sflag:s0] =	ssyncadd.s32 @!p1 $0xFFFFF800  }
0x5e: {  	v2 =	vld [tilespmem:s4+$0xFFFFFFF0]  }
0x5f: {  	v3 =	vld [tilespmem:s4+$0xFFFFFF90]  }
0x60: {  	v4 =	vld [tilespmem:s4+$0xFFFFFFA0]  }
0x61: {  	v5 =	vld [tilespmem:s4+$0xFFFFFFB0]  }
0x62: {  	v6 =	vld [tilespmem:s4+$0xFFFFFFC0]  }
0x63: {  	v7 =	vld [tilespmem:s4+$0xFFFFFFD0]  }
0x64: {  	v8 =	vld [tilespmem:s4+$0xFFFFFFE0]  }
0x65: {  	v9 =	vld [tilespmem:s4+$0xFFFFFF80]  }
0x66: {  	v10 =	vld [tilespmem:s4+$0x70]  }
0x67: {  	v17 =	vld [tilespmem:s4+$0x10]  }
0x68: {  	v2 =	vld.idx.msk [tilespmem:v2+s3+$0x0], $0xffff  }
0x69: {  	v3 =	vld.idx.msk [tilespmem:v3+s3+$0x0], $0xffff  }
0x6a: {  	v4 =	vld.idx.msk [tilespmem:v4+s3+$0x0], $0xffff  }
0x6b: {  	v11 =	vld.idx.msk [tilespmem:v5+s3+$0x0], $0xffff  }
0x6c: {  	v6 =	vld.idx.msk [tilespmem:v6+s3+$0x0], $0xffff  }
0x6d: {  	v12 =	vld.idx.msk [tilespmem:v7+s3+$0x0], $0xffff  }
0x6e: {  	v13 =	vld.idx.msk [tilespmem:v9+s3+$0x0], $0xffff  }
0x6f: {  	v14 =	vld.idx.msk [tilespmem:v8+s3+$0x0], $0xffff;
	v5 =	vshrl.u32 v2, $0x1  }
0x70: {  	vm0 =	veq.s32 v2, $0x0;
	v5 =	vadd.s32 v10, v5;
	v10 =	vld [tilespmem:s4+$0x0]  }
0x71: {  	v15 =	vshrl.u32 v3, $0x1;
	vm1 =	veq.s32 v3, $0x0;
	vm3 =	veq.s32 v4, $0x0  }
0x72: {  	v8 =	vld [tilespmem:s4+$0x20];
	vm4 =	veq.s32 v11, $0x0;
	v3 =	vshrl.u32 v6, $0x1;
	vm2 =	veq.s32 v6, $0x0  }
0x73: {  	v7 =	vld [tilespmem:s4+$0x30];
	v2 =	vshrl.u32 v12, $0x1;
	v6 =	vshrl.u32 v13, $0x1;
	vm6 =	veq.s32 v13, $0x0  }
0x74: {  	v9 =	vld [tilespmem:s4+$0x40];
	vm5 =	veq.s32 v14, $0x0;
	v13 =	vadd.s32 v17, v15;
	v16 =	vsel vm0, $0xFFFFFFFF, v5  }
0x75: {  	s1 =	sshll.u32 s22, $0x6;
	s0 =	simm.s32 $0x1A740;
	v5 =	vshrl.u32 v4, $0x1;
	v4 =	vshrl.u32 v11, $0x1;
	v11 =	vadd.s32 v10, v6;
	v10 =	vld [tilespmem:s4+$0x50]  }
0x76: {  	s31 =	sor.u32 s6, s1;
	s1 =	simm.s32 $0x0;
	vm0 =	veq.s32 v12, $0x0;
	[tilespmem:s0+$0x30] =	vst v16;
	v6 =	vshrl.u32 v14, $0x1;
	v12 =	vsel vm6, $0xFFFFFFFF, v11;
	v11 =	vld [tilespmem:s4+$0x60];
	s4 =	simm.s32 $0x18880  }
.LBB2_7:
0x77: {  	v14 =	vld [tilespmem:s4+$0xFFFFFFF0];
	s1 =	sadd.s32 $0x8, s1;
	[tilespmem:s0+$0xFFFFFFC0] =	vst v12;
	v12 =	vsel vm1, $0xFFFFFFFF, v13;
	v5 =	vadd.s32 v8, v5  }
0x78: {  	v8 =	vld [tilespmem:s4+$0xFFFFFF90];
	p2 =	slt.u32 s1, $0x78;
	[tilespmem:s0+$0xFFFFFFD0] =	vst v12;
	v5 =	vsel vm3, $0xFFFFFFFF, v5;
	v4 =	vadd.s32 v7, v4  }
0x79: {  	v7 =	vld [tilespmem:s4+$0xFFFFFFA0];
	[tilespmem:s0+$0xFFFFFFE0] =	vst v5;
	v4 =	vsel vm4, $0xFFFFFFFF, v4;
	v3 =	vadd.s32 v9, v3  }
0x7a: {  	v5 =	vld [tilespmem:s4+$0xFFFFFFB0];
	[tilespmem:s0+$0xFFFFFFF0] =	vst v4;
	v3 =	vsel vm2, $0xFFFFFFFF, v3;
	v2 =	vadd.s32 v10, v2  }
0x7b: {  	v4 =	vld [tilespmem:s4+$0xFFFFFFC0];
	[tilespmem:s0+$0x0] =	vst v3;
	v2 =	vsel vm0, $0xFFFFFFFF, v2;
	v3 =	vadd.s32 v11, v6  }
0x7c: {  	v6 =	vld [tilespmem:s4+$0xFFFFFFD0];
	[tilespmem:s0+$0x10] =	vst v2;
	v2 =	vsel vm5, $0xFFFFFFFF, v3  }
0x7d: {  	v3 =	vld [tilespmem:s4+$0xFFFFFFE0];
	[tilespmem:s0+$0x20] =	vst v2  }
0x7e: {  	v2 =	vld [tilespmem:s4+$0xFFFFFF80]  }
0x7f: {  	v9 =	vld.idx.msk [tilespmem:v14+s3+$0x0], $0xffff  }
0x80: {  	v8 =	vld.idx.msk [tilespmem:v8+s3+$0x0], $0xffff  }
0x81: {  	v10 =	vld [tilespmem:s4+$0x70]  }
0x82: {  	v7 =	vld.idx.msk [tilespmem:v7+s3+$0x0], $0xffff  }
0x83: {  	v11 =	vld.idx.msk [tilespmem:v5+s3+$0x0], $0xffff  }
0x84: {  	v12 =	vld.idx.msk [tilespmem:v4+s3+$0x0], $0xffff  }
0x85: {  	v4 =	vshrl.u32 v9, $0x1;
	v6 =	vld.idx.msk [tilespmem:v6+s3+$0x0], $0xffff  }
0x86: {  	vm0 =	veq.s32 v9, $0x0;
	v14 =	vshrl.u32 v8, $0x1;
	v13 =	vld.idx.msk [tilespmem:v2+s3+$0x0], $0xffff;
	v2 =	vadd.s32 v10, v4  }
0x87: {  	s0 =	sadd.s32 $0x80, s0;
	vm1 =	veq.s32 v8, $0x0;
	v15 =	vld.idx.msk [tilespmem:v3+s3+$0x0], $0xffff;
	v2 =	vsel vm0, $0xFFFFFFFF, v2  }
0x88: {  	v5 =	vshrl.u32 v7, $0x1;
	vm3 =	veq.s32 v7, $0x0;
	v10 =	vld [tilespmem:s4+$0x0];
	[tilespmem:s0+$0x30] =	vst v2  }
0x89: {  	v4 =	vshrl.u32 v11, $0x1;
	vm4 =	veq.s32 v11, $0x0;
	v16 =	vld [tilespmem:s4+$0x10]  }
.Ltmp6:
0x8a: {  	v3 =	vshrl.u32 v12, $0x1;
	vm2 =	veq.s32 v12, $0x0;
	v8 =	vld [tilespmem:s4+$0x20];
	(pc) =	sbr.rel @p2 .LBB2_7-.Ltmp6, $4  }
0x8b: {  	v2 =	vshrl.u32 v6, $0x1;
	vm0 =	veq.s32 v6, $0x0;
	v7 =	vld [tilespmem:s4+$0x30]  }
0x8c: {  	v6 =	vshrl.u32 v13, $0x1;
	vm6 =	veq.s32 v13, $0x0;
	v9 =	vld [tilespmem:s4+$0x40]  }
0x8d: {  	vm5 =	veq.s32 v15, $0x0;
	v11 =	vadd.s32 v10, v6;
	v10 =	vld [tilespmem:s4+$0x50];
	v6 =	vshrl.u32 v15, $0x1  }
0x8e: {  	v12 =	vsel vm6, $0xFFFFFFFF, v11;
	v13 =	vadd.s32 v16, v14;
	v11 =	vld [tilespmem:s4+$0x60];
	s4 =	sadd.s32 $0x100, s4  }
0x8f: {  	[tilespmem:s0+$0xFFFFFFC0] =	vst v12;
	v63 =	vsel vm1, $0xFFFFFFFF, v13;
	v5 =	vadd.s32 v8, v5  }
0x90: {  	[tilespmem:s0+$0xFFFFFFD0] =	vst v63;
	v5 =	vsel vm3, $0xFFFFFFFF, v5;
	v4 =	vadd.s32 v7, v4  }
0x91: {  	[tilespmem:s0+$0xFFFFFFE0] =	vst v5;
	v4 =	vsel vm4, $0xFFFFFFFF, v4;
	v3 =	vadd.s32 v9, v3  }
0x92: {  	[tilespmem:s0+$0xFFFFFFF0] =	vst v4;
	v3 =	vsel vm2, $0xFFFFFFFF, v3;
	v2 =	vadd.s32 v10, v2  }
0x93: {  	p2 =	sgt.u32 s31, $0xBF4;
	[tilespmem:s0+$0x0] =	vst v3;
	v2 =	vsel vm0, $0xFFFFFFFF, v2;
	v3 =	vadd.s32 v11, v6  }
0x94: {  	s1 =	sshll.u32 @!p2 s31, $0x9;
	s4 =	simm.s32 @!p2 $0x18700;
	[tilespmem:s0+$0x10] =	vst v2;
	v2 =	vsel vm5, $0xFFFFFFFF, v3  }
0x95: {  	s31 =	sor.u32 $0x20, s31;
	[tilespmem:s0+$0x20] =	vst v2;
	s0 =	sadd.s32 @!p2 s1, s16;
	s1 =	simm.s32 @!p2 $0x0  }
0x96: {  	[tilespmem:s4], [sflag:$0x1] =	stream.linear.gather @!p2 [hbm4b:s0+s1], $0x1000, $0x38;
	[tilespmem:$0x1F780] =	vst v63  }
0x97: {  	p2 =	sgt.u32 s31, $0xC34  }
.Ltmp7:
0x98: {  	_ = 	snop;
	(pc) =	sbr.rel @p2 .LBB2_12-.Ltmp7, $3  }
0x99: {  	_ =	sdelay $0x1  }
0x9a: {  	(ifvalue) =	ssetifvalue $0xFFFFFFFF  }
0x9b: {  	[spmem:s2] =	stream.indirect.scatter.add.f32 [tilespmem:s28], [sflag:$0x3], $0x1, s26, s25, $0x40b8;
	[tilespmem:$0x1F780] =	vst v63  }
0x9c: {  	_ =	swait.ge [sflag:s29], $0x1000  }
0x9d: {  	[sflag:s29] =	ssyncset.done $0x0  }
0x9e: {  	s0 =	simm.s32 @!p1 $0x3;
	[sflag:s29] =	ssyncadd.s32 $0xFFFFF000  }
0x9f: {  	_ =	swait.ge @!p1 [sflag:s0], $0x800  }
0xa0: {  	[sflag:s0] =	ssyncset.done @!p1 $0x0  }
0xa1: {  	s4 =	simm.s32 $0x197F0;
	[sflag:s0] =	ssyncadd.s32 @!p1 $0xFFFFF800  }
0xa2: {  	v2 =	vld [tilespmem:s4+$0xFFFFFF80]  }
0xa3: {  	v3 =	vld [tilespmem:s4+$0xFFFFFF20]  }
0xa4: {  	v4 =	vld [tilespmem:s4+$0xFFFFFF30]  }
0xa5: {  	v5 =	vld [tilespmem:s4+$0xFFFFFF40]  }
0xa6: {  	v6 =	vld [tilespmem:s4+$0xFFFFFF50]  }
0xa7: {  	v7 =	vld [tilespmem:s4+$0xFFFFFF60]  }
0xa8: {  	v8 =	vld [tilespmem:s4+$0xFFFFFF70]  }
0xa9: {  	v9 =	vld [tilespmem:s4+$0xFFFFFF10]  }
0xaa: {  	v10 =	vld [tilespmem:s4+$0x0]  }
0xab: {  	v2 =	vld.idx.msk [tilespmem:v2+s3+$0x0], $0xffff  }
0xac: {  	v3 =	vld.idx.msk [tilespmem:v3+s3+$0x0], $0xffff  }
0xad: {  	v4 =	vld.idx.msk [tilespmem:v4+s3+$0x0], $0xffff  }
0xae: {  	v11 =	vld.idx.msk [tilespmem:v5+s3+$0x0], $0xffff  }
0xaf: {  	v6 =	vld.idx.msk [tilespmem:v6+s3+$0x0], $0xffff  }
0xb0: {  	v12 =	vld.idx.msk [tilespmem:v7+s3+$0x0], $0xffff  }
0xb1: {  	v9 =	vld.idx.msk [tilespmem:v9+s3+$0x0], $0xffff  }
0xb2: {  	v13 =	vld.idx.msk [tilespmem:v8+s3+$0x0], $0xffff  }
0xb3: {  	v14 =	vld [tilespmem:s4+$0xFFFFFF90];
	v5 =	vshrl.u32 v2, $0x1;
	vm0 =	veq.s32 v2, $0x0;
	v15 =	vshrl.u32 v3, $0x1  }
0xb4: {  	v17 =	vld [tilespmem:s4+$0xFFFFFFA0];
	vm1 =	veq.s32 v3, $0x0;
	vm3 =	veq.s32 v4, $0x0;
	vm4 =	veq.s32 v11, $0x0  }
0xb5: {  	v8 =	vld [tilespmem:s4+$0xFFFFFFB0];
	v3 =	vshrl.u32 v6, $0x1;
	vm2 =	veq.s32 v6, $0x0;
	v2 =	vshrl.u32 v12, $0x1  }
0xb6: {  	v7 =	vld [tilespmem:s4+$0xFFFFFFC0];
	v6 =	vshrl.u32 v9, $0x1;
	vm6 =	veq.s32 v9, $0x0;
	v5 =	vadd.s32 v10, v5  }
0xb7: {  	vm5 =	veq.s32 v13, $0x0;
	v10 =	vld [tilespmem:s4+$0xFFFFFFD0];
	v16 =	vsel vm0, $0xFFFFFFFF, v5;
	v5 =	vshrl.u32 v4, $0x1  }
0xb8: {  	s0 =	simm.s32 $0x1AF40;
	v9 =	vld [tilespmem:s4+$0xFFFFFFE0];
	v4 =	vshrl.u32 v11, $0x1;
	vm0 =	veq.s32 v12, $0x0;
	v11 =	vadd.s32 v14, v6  }
0xb9: {  	s1 =	simm.s32 $0x0;
	v6 =	vshrl.u32 v13, $0x1;
	v13 =	vadd.s32 v17, v15;
	[tilespmem:s0+$0x30] =	vst v16;
	v12 =	vsel vm6, $0xFFFFFFFF, v11;
	v11 =	vld [tilespmem:s4+$0xFFFFFFF0];
	s4 =	simm.s32 $0x198F0  }
.LBB2_10:
0xba: {  	v14 =	vld [tilespmem:s4+$0xFFFFFF80];
	s1 =	sadd.s32 $0x8, s1;
	[tilespmem:s0+$0xFFFFFFC0] =	vst v12;
	v12 =	vsel vm1, $0xFFFFFFFF, v13;
	v5 =	vadd.s32 v8, v5  }
0xbb: {  	v8 =	vld [tilespmem:s4+$0xFFFFFF20];
	p1 =	slt.u32 s1, $0x78;
	[tilespmem:s0+$0xFFFFFFD0] =	vst v12;
	v5 =	vsel vm3, $0xFFFFFFFF, v5;
	v4 =	vadd.s32 v7, v4  }
0xbc: {  	v7 =	vld [tilespmem:s4+$0xFFFFFF30];
	[tilespmem:s0+$0xFFFFFFE0] =	vst v5;
	v4 =	vsel vm4, $0xFFFFFFFF, v4;
	v3 =	vadd.s32 v10, v3  }
0xbd: {  	v5 =	vld [tilespmem:s4+$0xFFFFFF40];
	[tilespmem:s0+$0xFFFFFFF0] =	vst v4;
	v3 =	vsel vm2, $0xFFFFFFFF, v3;
	v2 =	vadd.s32 v9, v2  }
0xbe: {  	v4 =	vld [tilespmem:s4+$0xFFFFFF50];
	[tilespmem:s0+$0x0] =	vst v3;
	v2 =	vsel vm0, $0xFFFFFFFF, v2;
	v3 =	vadd.s32 v11, v6  }
0xbf: {  	v6 =	vld [tilespmem:s4+$0xFFFFFF60];
	[tilespmem:s0+$0x10] =	vst v2;
	v2 =	vsel vm5, $0xFFFFFFFF, v3  }
0xc0: {  	v3 =	vld [tilespmem:s4+$0xFFFFFF70];
	[tilespmem:s0+$0x20] =	vst v2  }
0xc1: {  	v2 =	vld [tilespmem:s4+$0xFFFFFF10]  }
0xc2: {  	v9 =	vld.idx.msk [tilespmem:v14+s3+$0x0], $0xffff  }
0xc3: {  	v8 =	vld.idx.msk [tilespmem:v8+s3+$0x0], $0xffff  }
0xc4: {  	v10 =	vld [tilespmem:s4+$0x0]  }
0xc5: {  	v7 =	vld.idx.msk [tilespmem:v7+s3+$0x0], $0xffff  }
0xc6: {  	v11 =	vld.idx.msk [tilespmem:v5+s3+$0x0], $0xffff  }
0xc7: {  	v12 =	vld.idx.msk [tilespmem:v4+s3+$0x0], $0xffff  }
0xc8: {  	v4 =	vshrl.u32 v9, $0x1;
	v6 =	vld.idx.msk [tilespmem:v6+s3+$0x0], $0xffff  }
0xc9: {  	vm0 =	veq.s32 v9, $0x0;
	v14 =	vshrl.u32 v8, $0x1;
	v13 =	vld.idx.msk [tilespmem:v2+s3+$0x0], $0xffff;
	v2 =	vadd.s32 v10, v4  }
0xca: {  	s0 =	sadd.s32 $0x80, s0;
	vm1 =	veq.s32 v8, $0x0;
	v15 =	vld.idx.msk [tilespmem:v3+s3+$0x0], $0xffff;
	v2 =	vsel vm0, $0xFFFFFFFF, v2  }
0xcb: {  	v5 =	vshrl.u32 v7, $0x1;
	vm3 =	veq.s32 v7, $0x0;
	v9 =	vld [tilespmem:s4+$0xFFFFFF90];
	[tilespmem:s0+$0x30] =	vst v2  }
0xcc: {  	v4 =	vshrl.u32 v11, $0x1;
	vm4 =	veq.s32 v11, $0x0;
	v16 =	vld [tilespmem:s4+$0xFFFFFFA0]  }
.Ltmp8:
0xcd: {  	v3 =	vshrl.u32 v12, $0x1;
	vm2 =	veq.s32 v12, $0x0;
	v8 =	vld [tilespmem:s4+$0xFFFFFFB0];
	(pc) =	sbr.rel @p1 .LBB2_10-.Ltmp8, $4  }
0xce: {  	v2 =	vshrl.u32 v6, $0x1;
	vm0 =	veq.s32 v6, $0x0;
	v7 =	vld [tilespmem:s4+$0xFFFFFFC0]  }
0xcf: {  	v6 =	vshrl.u32 v13, $0x1;
	vm6 =	veq.s32 v13, $0x0;
	v10 =	vld [tilespmem:s4+$0xFFFFFFD0]  }
0xd0: {  	vm5 =	veq.s32 v15, $0x0;
	v11 =	vadd.s32 v9, v6;
	v9 =	vld [tilespmem:s4+$0xFFFFFFE0];
	v6 =	vshrl.u32 v15, $0x1  }
0xd1: {  	v12 =	vsel vm6, $0xFFFFFFFF, v11;
	v13 =	vadd.s32 v16, v14;
	v11 =	vld [tilespmem:s4+$0xFFFFFFF0];
	s4 =	sadd.s32 $0x100, s4  }
0xd2: {  	[tilespmem:s0+$0xFFFFFFC0] =	vst v12;
	v63 =	vsel vm1, $0xFFFFFFFF, v13;
	v5 =	vadd.s32 v8, v5  }
0xd3: {  	[tilespmem:s0+$0xFFFFFFD0] =	vst v63;
	v5 =	vsel vm3, $0xFFFFFFFF, v5;
	v4 =	vadd.s32 v7, v4  }
0xd4: {  	[tilespmem:s0+$0xFFFFFFE0] =	vst v5;
	v4 =	vsel vm4, $0xFFFFFFFF, v4;
	v3 =	vadd.s32 v10, v3  }
0xd5: {  	[tilespmem:s0+$0xFFFFFFF0] =	vst v4;
	v3 =	vsel vm2, $0xFFFFFFFF, v3;
	v2 =	vadd.s32 v9, v2  }
0xd6: {  	p1 =	sgt.u32 s31, $0xBF4;
	[tilespmem:s0+$0x0] =	vst v3;
	v2 =	vsel vm0, $0xFFFFFFFF, v2;
	v3 =	vadd.s32 v11, v6  }
.Ltmp9:
0xd7: {  	s1 =	sshll.u32 @!p1 s31, $0x9;
	[tilespmem:s0+$0x10] =	vst v2;
	v2 =	vsel vm5, $0xFFFFFFFF, v3;
	(pc) =	sbr.rel .LBB2_12-.Ltmp9, $4  }
0xd8: {  	s4 =	simm.s32 @!p1 $0x19700;
	[tilespmem:s0+$0x20] =	vst v2;
	s0 =	sadd.s32 @!p1 s1, s16;
	s1 =	simm.s32 @!p1 $0x0  }
0xd9: {  	[tilespmem:s4], [sflag:$0x2] =	stream.linear.gather @!p1 [hbm4b:s0+s1], $0x1000, $0x38;
	[tilespmem:$0x1F780] =	vst v63  }
0xda: {  	(ifvalue) =	ssetifvalue $0xFFFFFFFF  }
0xdb: {  	[spmem:s2] =	stream.indirect.scatter.add.f32 [tilespmem:s28], [sflag:$0x3], $0x1, s30, s25, $0x40b8;
	[tilespmem:$0x1F780] =	vst v63  }
.LBB2_14:
0xdc: {  	_ =	sfence.sel $0x180000  }
0xdd: {  	[bflag:$0x0] =	sbarrier.arrive $0xFFFF  }
0xde: {  	_ =	strace $0x90000047  }
0xdf: {  	s0 =	stileid.u32;
	[bflag:$0x2] =	sbarrier.arrive $0xFFFF  }
0xe0: {  	p0 =	sne.s32 s0, $0x0;
	s0 =	rddreg [dreg:$0x4]  }
0xe1: {  	s0 =	sadd.s32 @!p0 $0x100000, s0  }
0xe2: {  	[sflag:s0] =	ssyncadd.tile.s32 @!p0 $0x1;
	_ =	shalt  }
.Lfunc_end2:
_tile_overlayer_lowered:
.L_overlay_start_2:
0xe3: {  	(tag) =	ssettag $0x2  }
0xe4: {  	s0 =	rddreg [dreg:$0x0];
	s2 =	stileid.u32  }
0xe5: {  	s1 =	rddreg [dreg:$0x1];
	p0 =	sne.s32 s2, $0x0  }
0xe6: {  	s3 =	rddreg [dreg:$0x2];
	[bflag:$0x3] =	sbarrier.arrive $0xFFFF;
	s2 =	simm.s32 @!p0 $0x1C04  }
0xe7: {  	[timem:s3], [sflag:s2] =	dma.local @!p0 [hbm:s0], s1  }
0xe8: {  	s0 =	simm.s32 @!p0 $0x4  }
0xe9: {  	_ =	swait.ge @!p0 [sflag:s0], s1  }
0xea: {  	s1 =	ssub.s32 @!p0 $0x0, s1;
	[sflag:s0] =	ssyncset.done @!p0 $0x0  }
0xeb: {  	[sflag:s0] =	ssyncadd.s32 @!p0 s1  }
0xec: {  	[bflag:$0x3] =	sbarrier.arrive $0xFFFF  }
0xed: {  	_ =	shalt  }

</sc_bundles>
